<compile_context>
chip_gen: v7x
topology: tpu7x:2x2x1
jax: 0.10.2.dev20260603
libtpu: 0.0.44.dev20260713+nightly
codegen_flags: <defaults>
</compile_context>

<pallas_src>
import functools

import jax
import jax.numpy as jnp
from jax import lax
from jax.experimental import pallas as pl
from jax.experimental.pallas import tpu as pltpu
from jax.experimental.pallas import tpu_sc as plsc

N = 10000
E = 320000
F = 128
G = 64
C = 10

NC = 2
NS = 16
NW = NC * NS
CHUNK = 80
EDGES_PER_W = 10000
E_PAD = NW * EDGES_PER_W
NCHUNK = EDGES_PER_W // CHUNK
N_PAD = 10240
ROWS_PER_TILE = N_PAD // NS

_mesh = plsc.VectorSubcoreMesh(core_axis_name="c", subcore_axis_name="s")


@functools.partial(
    pl.kernel,
    out_type=jax.ShapeDtypeStruct((NC, N_PAD, F), jnp.float32),
    mesh=_mesh,
    scratch_types=[
        pltpu.VMEM((2, NCHUNK, CHUNK), jnp.int32),
        pltpu.VMEM((CHUNK, F), jnp.float32),
        pltpu.VMEM_SHARED((N_PAD, F), jnp.float32),
        pltpu.SemaphoreType.DMA,
    ],
)
def _sc_aggregate(h_hbm, ei_hbm, zeros_hbm, out_hbm, idx_v, rows_v, acc_sh, s0):
    cid = lax.axis_index("c")
    sid = lax.axis_index("s")
    wid = sid * NC + cid

    pltpu.sync_copy(zeros_hbm, acc_sh.at[pl.ds(sid * ROWS_PER_TILE, ROWS_PER_TILE)])
    pltpu.sync_copy(ei_hbm.at[0, wid], idx_v.at[0])
    pltpu.sync_copy(ei_hbm.at[1, wid], idx_v.at[1])
    plsc.subcore_barrier()

    def body(c, carry):
        pltpu.async_copy(h_hbm.at[idx_v.at[0, c]], rows_v, s0).wait()
        pltpu.sync_copy(rows_v, acc_sh.at[idx_v.at[1, c]], add=True)
        return carry

    lax.fori_loop(0, NCHUNK, body, 0)
    plsc.subcore_barrier()

    pltpu.sync_copy(acc_sh.at[pl.ds(sid * ROWS_PER_TILE, ROWS_PER_TILE)],
                    out_hbm.at[cid, pl.ds(sid * ROWS_PER_TILE, ROWS_PER_TILE)])


_ROWS_BLK = 1024
_NBLK = N_PAD // _ROWS_BLK


def _mlp_body(h_ref, a0_ref, a1_ref, wa_ref, ba_ref, wb_ref, bb_ref, o_ref):
    z = h_ref[...] + a0_ref[...] + a1_ref[...]
    z = jnp.dot(z, wa_ref[...], preferred_element_type=jnp.float32) + ba_ref[...]
    z = jnp.maximum(z, 0.0)
    z = jnp.dot(z, wb_ref[...], preferred_element_type=jnp.float32) + bb_ref[...]
    o_ref[...] = jnp.maximum(z, 0.0)


def _tc_mlp(h, a0, a1, wa, ba, wb, bb):
    return pl.pallas_call(
        _mlp_body,
        grid=(_NBLK,),
        in_specs=[
            pl.BlockSpec((_ROWS_BLK, F), lambda i: (i, 0)),
            pl.BlockSpec((_ROWS_BLK, F), lambda i: (i, 0)),
            pl.BlockSpec((_ROWS_BLK, F), lambda i: (i, 0)),
            pl.BlockSpec((F, F), lambda i: (0, 0)),
            pl.BlockSpec((1, F), lambda i: (0, 0)),
            pl.BlockSpec((F, F), lambda i: (0, 0)),
            pl.BlockSpec((1, F), lambda i: (0, 0)),
        ],
        out_specs=pl.BlockSpec((_ROWS_BLK, F), lambda i: (i, 0)),
        out_shape=jax.ShapeDtypeStruct((N_PAD, F), jnp.float32),
    )(h, a0, a1, wa, ba.reshape(1, F), wb, bb.reshape(1, F))


def _mlp_pool_body(h_ref, a0_ref, a1_ref, wa_ref, ba_ref, wb_ref, bb_ref,
                   batch_ref, wfc_ref, bfc_ref, o_ref, pooled_acc):
    i = pl.program_id(0)
    z = h_ref[...] + a0_ref[...] + a1_ref[...]
    z = jnp.dot(z, wa_ref[...], preferred_element_type=jnp.float32) + ba_ref[...]
    z = jnp.maximum(z, 0.0)
    z = jnp.dot(z, wb_ref[...], preferred_element_type=jnp.float32) + bb_ref[...]
    h2 = jnp.maximum(z, 0.0)
    gids = lax.broadcasted_iota(jnp.int32, (G, _ROWS_BLK), 0)
    onehot = (gids == batch_ref[...]).astype(jnp.float32)
    part = jnp.dot(onehot, h2, preferred_element_type=jnp.float32)

    @pl.when(i == 0)
    def _():
        pooled_acc[...] = part

    @pl.when(i > 0)
    def _():
        pooled_acc[...] += part

    @pl.when(i == _NBLK - 1)
    def _():
        logits = jnp.dot(pooled_acc[...], wfc_ref[...],
                         preferred_element_type=jnp.float32) + bfc_ref[...]
        m = jnp.max(logits, axis=-1, keepdims=True)
        shifted = logits - m
        lse = jnp.log(jnp.sum(jnp.exp(shifted), axis=-1, keepdims=True))
        o_ref[...] = shifted - lse


def _tc_mlp_pool(h, a0, a1, wa, ba, wb, bb, batch_pad, wfc, bfc):
    return pl.pallas_call(
        _mlp_pool_body,
        grid=(_NBLK,),
        in_specs=[
            pl.BlockSpec((_ROWS_BLK, F), lambda i: (i, 0)),
            pl.BlockSpec((_ROWS_BLK, F), lambda i: (i, 0)),
            pl.BlockSpec((_ROWS_BLK, F), lambda i: (i, 0)),
            pl.BlockSpec((F, F), lambda i: (0, 0)),
            pl.BlockSpec((1, F), lambda i: (0, 0)),
            pl.BlockSpec((F, F), lambda i: (0, 0)),
            pl.BlockSpec((1, F), lambda i: (0, 0)),
            pl.BlockSpec((1, _ROWS_BLK), lambda i: (0, i)),
            pl.BlockSpec((F, C), lambda i: (0, 0)),
            pl.BlockSpec((1, C), lambda i: (0, 0)),
        ],
        out_specs=pl.BlockSpec((G, C), lambda i: (0, 0)),
        out_shape=jax.ShapeDtypeStruct((G, C), jnp.float32),
        scratch_shapes=[pltpu.VMEM((G, F), jnp.float32)],
    )(h, a0, a1, wa, ba.reshape(1, F), wb, bb.reshape(1, F),
      batch_pad, wfc, bfc.reshape(1, C))


def kernel(x, edge_index, batch, W1a, b1a, W1b, b1b, W2a, b2a, W2b, b2b, Wfc, bfc):
    ei = edge_index.reshape(2, NW, NCHUNK, CHUNK)
    zeros = jnp.zeros((ROWS_PER_TILE, F), jnp.float32)
    x_pad = jnp.pad(x, ((0, N_PAD - N), (0, 0)))
    batch_pad = jnp.pad(batch, (0, N_PAD - N), constant_values=G).reshape(1, N_PAD)

    agg1 = _sc_aggregate(x_pad, ei, zeros)
    h1 = _tc_mlp(x_pad, agg1[0], agg1[1], W1a, b1a, W1b, b1b)
    agg2 = _sc_aggregate(h1, ei, zeros)
    return _tc_mlp_pool(h1, agg2[0], agg2[1], W2a, b2a, W2b, b2b,
                        batch_pad, Wfc, bfc)

# --- scband reference (transcript-rebuilt; emitter-appended) ---
"""Pipeline reference for scband-gin-63737314673101 (READ-ONLY COPY).

The authoritative reference and input builder live on the scoring server;
editing this copy changes nothing except your own understanding.
"""

import jax, jax.numpy as jnp
import numpy as np

N = 10000
E = 320000
F_IN = 128
H = 128
C = 10
G = 64


def setup_inputs(seed: int = 0) -> dict:
    key = jax.random.key(seed)
    ks = jax.random.split(key, 16)
    x = jax.random.normal(ks[0], (N, F_IN), dtype=jnp.float32)
    edge_index = jax.random.randint(ks[1], (2, E), 0, N, dtype=jnp.int32)
    batch = jnp.sort(jax.random.randint(ks[2], (N,), 0, G, dtype=jnp.int32))
    s1 = 1.0 / np.sqrt(F_IN)
    sh = 1.0 / np.sqrt(H)
    W1a = jax.random.uniform(ks[3], (F_IN, H), jnp.float32, -s1, s1)
    b1a = jax.random.uniform(ks[4], (H,), jnp.float32, -s1, s1)
    W1b = jax.random.uniform(ks[5], (H, H), jnp.float32, -sh, sh)
    b1b = jax.random.uniform(ks[6], (H,), jnp.float32, -sh, sh)
    W2a = jax.random.uniform(ks[7], (H, H), jnp.float32, -sh, sh)
    b2a = jax.random.uniform(ks[8], (H,), jnp.float32, -sh, sh)
    W2b = jax.random.uniform(ks[9], (H, H), jnp.float32, -sh, sh)
    b2b = jax.random.uniform(ks[10], (H,), jnp.float32, -sh, sh)
    Wfc = jax.random.uniform(ks[11], (H, C), jnp.float32, -sh, sh)
    bfc = jax.random.uniform(ks[12], (C,), jnp.float32, -sh, sh)
    return {"x": x, "edge_index": edge_index, "batch": batch,
            "W1a": W1a, "b1a": b1a, "W1b": W1b, "b1b": b1b,
            "W2a": W2a, "b2a": b2a, "W2b": W2b, "b2b": b2b,
            "Wfc": Wfc, "bfc": bfc}


def reference(x, edge_index, batch, W1a, b1a, W1b, b1b, W2a, b2a, W2b, b2b, Wfc, bfc):
    src = edge_index[0]
    dst = edge_index[1]

    def gin_conv(h, Wa, ba, Wb, bb):
        # PyG GINConv (eps=0): out = MLP((1+eps)*x_i + sum_{j->i} x_j)
        msgs = jnp.take(h, src, axis=0)
        agg = jax.ops.segment_sum(msgs, dst, num_segments=h.shape[0])
        z = h + agg
        z = jnp.maximum(jnp.dot(z, Wa) + ba, 0.0)
        z = jnp.dot(z, Wb) + bb
        return z

    h = jnp.maximum(gin_conv(x, W1a, b1a, W1b, b1b), 0.0)
    h = jnp.maximum(gin_conv(h, W2a, b2a, W2b, b2b), 0.0)
    pooled = jax.ops.segment_sum(h, batch, num_segments=G)
    logits = jnp.dot(pooled, Wfc) + bfc
    return jax.nn.log_softmax(logits, axis=-1)

if __name__ == "__main__":
    import jax
    _d = setup_inputs()
    print(jax.jit(kernel)(*tuple(_d.values())))

</pallas_src>

<mosaic_0001>
#map = affine_map<(d0, d1) -> (0, 0)>
#map1 = affine_map<(d0, d1) -> (0, 0, 0, 0)>
#map2 = affine_map<(d0, d1) -> (0, 0, 0)>
module attributes {stable_mosaic.version = 14 : i64} {
  func.func @_sc_aggregate(%arg0: i32, %arg1: i32, %arg2: memref<10240x128xf32, #tpu.memory_space<hbm>>, %arg3: memref<2x32x125x80xi32, #tpu.memory_space<hbm>>, %arg4: memref<640x128xf32, #tpu.memory_space<hbm>>, %arg5: memref<2x10240x128xf32, #tpu.memory_space<hbm>>, %arg6: memref<2x125x80xi32, #tpu.memory_space<vmem>>, %arg7: memref<80x128xf32, #tpu.memory_space<vmem>>, %arg8: memref<10240x128xf32, #tpu.memory_space<vmem_shared>>, %arg9: memref<!tpu.dma_semaphore, #tpu.memory_space<semaphore_mem>>) attributes {dimension_semantics = [#tpu.dimension_semantics<core_parallel>, #tpu.dimension_semantics<subcore_parallel>], iteration_bounds = array<i64: 2, 16>, scalar_prefetch = 0 : i64, scratch_operands = 4 : i64, tpu.core_type = #tpu.core_type<sc_vector_subcore>, window_params = [{transform_indices = #map}, {transform_indices = #map1}, {transform_indices = #map}, {transform_indices = #map2}]} {
    %mul3A = arith.constant 2 : i32
    %mul3A_0 = arith.muli %arg1, %mul3A : i32
    %add3A = arith.addi %mul3A_0, %arg0 : i32
    %mul3A_1 = arith.constant 640 : i32
    %mul3A_2 = arith.muli %arg1, %mul3A_1 : i32
    "tpu.region"() ({
      %run_scoped3A_16 = tpu.sem_alloc : memref<!tpu.dma_semaphore, #tpu.memory_space<semaphore_mem>>
      %dma_start3A = arith.constant 0 : i32
      %dma_start3A_17 = tpu.memref_slice %arg8[%mul3A_2, %dma_start3A] : memref<10240x128xf32, #tpu.memory_space<vmem_shared>> -> memref<640x128xf32, #tpu.memory_space<vmem_shared>>
      tpu.enqueue_dma source(%arg4 : memref<640x128xf32, #tpu.memory_space<hbm>>) target(%dma_start3A_17 : memref<640x128xf32, #tpu.memory_space<vmem_shared>>) target_semaphore(%run_scoped3A_16 : memref<!tpu.dma_semaphore, #tpu.memory_space<semaphore_mem>>)
      %dma_wait3A = arith.constant 0 : i32
      %dma_wait3A_18 = tpu.memref_slice %arg8[%mul3A_2, %dma_wait3A] : memref<10240x128xf32, #tpu.memory_space<vmem_shared>> -> memref<640x128xf32, #tpu.memory_space<vmem_shared>>
      tpu.wait_dma2 semaphore(%run_scoped3A_16 : memref<!tpu.dma_semaphore, #tpu.memory_space<semaphore_mem>>) src(%arg4 : memref<640x128xf32, #tpu.memory_space<hbm>>) dst(%dma_wait3A_18 : memref<640x128xf32, #tpu.memory_space<vmem_shared>>)
      tpu.yield
    }) : () -> ()
    %run_scoped3A = arith.constant 0 : i32
    %run_scoped3A_3 = arith.constant 0 : i32
    "tpu.region"() ({
      %run_scoped3A_16 = tpu.sem_alloc : memref<!tpu.dma_semaphore, #tpu.memory_space<semaphore_mem>>
      %dma_start3A = arith.constant 0 : i32
      %dma_start3A_17 = arith.constant 0 : i32
      %dma_start3A_18 = tpu.memref_slice %arg6[%run_scoped3A_3, %dma_start3A, %dma_start3A_17] : memref<2x125x80xi32, #tpu.memory_space<vmem>> -> memref<1x125x80xi32, #tpu.memory_space<vmem>>
      %dma_start3A_19 = tpu.memref_squeeze %dma_start3A_18 : memref<1x125x80xi32, #tpu.memory_space<vmem>> -> memref<125x80xi32, #tpu.memory_space<vmem>>
      %dma_start3A_20 = arith.constant 0 : i32
      %dma_start3A_21 = arith.constant 0 : i32
      %dma_start3A_22 = tpu.memref_slice %arg3[%run_scoped3A, %add3A, %dma_start3A_20, %dma_start3A_21] : memref<2x32x125x80xi32, #tpu.memory_space<hbm>> -> memref<1x1x125x80xi32, #tpu.memory_space<hbm>>
      %dma_start3A_23 = tpu.memref_squeeze %dma_start3A_22 : memref<1x1x125x80xi32, #tpu.memory_space<hbm>> -> memref<125x80xi32, #tpu.memory_space<hbm>>
      %dma_start3A_24 = arith.constant 0 : i32
      %dma_start3A_25 = arith.constant 0 : i32
      %dma_start3A_26 = tpu.memref_slice %arg6[%run_scoped3A_3, %dma_start3A_24, %dma_start3A_25] : memref<2x125x80xi32, #tpu.memory_space<vmem>> -> memref<1x125x80xi32, #tpu.memory_space<vmem>>
      %dma_start3A_27 = tpu.memref_squeeze %dma_start3A_26 : memref<1x125x80xi32, #tpu.memory_space<vmem>> -> memref<125x80xi32, #tpu.memory_space<vmem>>
      %dma_start3A_28 = arith.constant 0 : i32
      %dma_start3A_29 = arith.constant 0 : i32
      %dma_start3A_30 = tpu.memref_slice %arg3[%run_scoped3A, %add3A, %dma_start3A_28, %dma_start3A_29] : memref<2x32x125x80xi32, #tpu.memory_space<hbm>> -> memref<1x1x125x80xi32, #tpu.memory_space<hbm>>
      %dma_start3A_31 = tpu.memref_squeeze %dma_start3A_30 : memref<1x1x125x80xi32, #tpu.memory_space<hbm>> -> memref<125x80xi32, #tpu.memory_space<hbm>>
      tpu.enqueue_dma source(%dma_start3A_31 : memref<125x80xi32, #tpu.memory_space<hbm>>) target(%dma_start3A_27 : memref<125x80xi32, #tpu.memory_space<vmem>>) target_semaphore(%run_scoped3A_16 : memref<!tpu.dma_semaphore, #tpu.memory_space<semaphore_mem>>)
      %dma_wait3A = arith.constant 0 : i32
      %dma_wait3A_32 = arith.constant 0 : i32
      %dma_wait3A_33 = tpu.memref_slice %arg6[%run_scoped3A_3, %dma_wait3A, %dma_wait3A_32] : memref<2x125x80xi32, #tpu.memory_space<vmem>> -> memref<1x125x80xi32, #tpu.memory_space<vmem>>
      %dma_wait3A_34 = tpu.memref_squeeze %dma_wait3A_33 : memref<1x125x80xi32, #tpu.memory_space<vmem>> -> memref<125x80xi32, #tpu.memory_space<vmem>>
      %dma_wait3A_35 = arith.constant 0 : i32
      %dma_wait3A_36 = arith.constant 0 : i32
      %dma_wait3A_37 = tpu.memref_slice %arg3[%run_scoped3A, %add3A, %dma_wait3A_35, %dma_wait3A_36] : memref<2x32x125x80xi32, #tpu.memory_space<hbm>> -> memref<1x1x125x80xi32, #tpu.memory_space<hbm>>
      %dma_wait3A_38 = tpu.memref_squeeze %dma_wait3A_37 : memref<1x1x125x80xi32, #tpu.memory_space<hbm>> -> memref<125x80xi32, #tpu.memory_space<hbm>>
      %dma_wait3A_39 = arith.constant 0 : i32
      %dma_wait3A_40 = arith.constant 0 : i32
      %dma_wait3A_41 = tpu.memref_slice %arg6[%run_scoped3A_3, %dma_wait3A_39, %dma_wait3A_40] : memref<2x125x80xi32, #tpu.memory_space<vmem>> -> memref<1x125x80xi32, #tpu.memory_space<vmem>>
      %dma_wait3A_42 = tpu.memref_squeeze %dma_wait3A_41 : memref<1x125x80xi32, #tpu.memory_space<vmem>> -> memref<125x80xi32, #tpu.memory_space<vmem>>
      %dma_wait3A_43 = arith.constant 0 : i32
      %dma_wait3A_44 = arith.constant 0 : i32
      %dma_wait3A_45 = tpu.memref_slice %arg3[%run_scoped3A, %add3A, %dma_wait3A_43, %dma_wait3A_44] : memref<2x32x125x80xi32, #tpu.memory_space<hbm>> -> memref<1x1x125x80xi32, #tpu.memory_space<hbm>>
      %dma_wait3A_46 = tpu.memref_squeeze %dma_wait3A_45 : memref<1x1x125x80xi32, #tpu.memory_space<hbm>> -> memref<125x80xi32, #tpu.memory_space<hbm>>
      tpu.wait_dma2 semaphore(%run_scoped3A_16 : memref<!tpu.dma_semaphore, #tpu.memory_space<semaphore_mem>>) src(%dma_wait3A_46 : memref<125x80xi32, #tpu.memory_space<hbm>>) dst(%dma_wait3A_42 : memref<125x80xi32, #tpu.memory_space<vmem>>)
      tpu.yield
    }) : () -> ()
    %run_scoped3A_4 = arith.constant 1 : i32
    %run_scoped3A_5 = arith.constant 1 : i32
    "tpu.region"() ({
      %run_scoped3A_16 = tpu.sem_alloc : memref<!tpu.dma_semaphore, #tpu.memory_space<semaphore_mem>>
      %dma_start3A = arith.constant 0 : i32
      %dma_start3A_17 = arith.constant 0 : i32
      %dma_start3A_18 = tpu.memref_slice %arg6[%run_scoped3A_5, %dma_start3A, %dma_start3A_17] : memref<2x125x80xi32, #tpu.memory_space<vmem>> -> memref<1x125x80xi32, #tpu.memory_space<vmem>>
      %dma_start3A_19 = tpu.memref_squeeze %dma_start3A_18 : memref<1x125x80xi32, #tpu.memory_space<vmem>> -> memref<125x80xi32, #tpu.memory_space<vmem>>
      %dma_start3A_20 = arith.constant 0 : i32
      %dma_start3A_21 = arith.constant 0 : i32
      %dma_start3A_22 = tpu.memref_slice %arg3[%run_scoped3A_4, %add3A, %dma_start3A_20, %dma_start3A_21] : memref<2x32x125x80xi32, #tpu.memory_space<hbm>> -> memref<1x1x125x80xi32, #tpu.memory_space<hbm>>
      %dma_start3A_23 = tpu.memref_squeeze %dma_start3A_22 : memref<1x1x125x80xi32, #tpu.memory_space<hbm>> -> memref<125x80xi32, #tpu.memory_space<hbm>>
      %dma_start3A_24 = arith.constant 0 : i32
      %dma_start3A_25 = arith.constant 0 : i32
      %dma_start3A_26 = tpu.memref_slice %arg6[%run_scoped3A_5, %dma_start3A_24, %dma_start3A_25] : memref<2x125x80xi32, #tpu.memory_space<vmem>> -> memref<1x125x80xi32, #tpu.memory_space<vmem>>
      %dma_start3A_27 = tpu.memref_squeeze %dma_start3A_26 : memref<1x125x80xi32, #tpu.memory_space<vmem>> -> memref<125x80xi32, #tpu.memory_space<vmem>>
      %dma_start3A_28 = arith.constant 0 : i32
      %dma_start3A_29 = arith.constant 0 : i32
      %dma_start3A_30 = tpu.memref_slice %arg3[%run_scoped3A_4, %add3A, %dma_start3A_28, %dma_start3A_29] : memref<2x32x125x80xi32, #tpu.memory_space<hbm>> -> memref<1x1x125x80xi32, #tpu.memory_space<hbm>>
      %dma_start3A_31 = tpu.memref_squeeze %dma_start3A_30 : memref<1x1x125x80xi32, #tpu.memory_space<hbm>> -> memref<125x80xi32, #tpu.memory_space<hbm>>
      tpu.enqueue_dma source(%dma_start3A_31 : memref<125x80xi32, #tpu.memory_space<hbm>>) target(%dma_start3A_27 : memref<125x80xi32, #tpu.memory_space<vmem>>) target_semaphore(%run_scoped3A_16 : memref<!tpu.dma_semaphore, #tpu.memory_space<semaphore_mem>>)
      %dma_wait3A = arith.constant 0 : i32
      %dma_wait3A_32 = arith.constant 0 : i32
      %dma_wait3A_33 = tpu.memref_slice %arg6[%run_scoped3A_5, %dma_wait3A, %dma_wait3A_32] : memref<2x125x80xi32, #tpu.memory_space<vmem>> -> memref<1x125x80xi32, #tpu.memory_space<vmem>>
      %dma_wait3A_34 = tpu.memref_squeeze %dma_wait3A_33 : memref<1x125x80xi32, #tpu.memory_space<vmem>> -> memref<125x80xi32, #tpu.memory_space<vmem>>
      %dma_wait3A_35 = arith.constant 0 : i32
      %dma_wait3A_36 = arith.constant 0 : i32
      %dma_wait3A_37 = tpu.memref_slice %arg3[%run_scoped3A_4, %add3A, %dma_wait3A_35, %dma_wait3A_36] : memref<2x32x125x80xi32, #tpu.memory_space<hbm>> -> memref<1x1x125x80xi32, #tpu.memory_space<hbm>>
      %dma_wait3A_38 = tpu.memref_squeeze %dma_wait3A_37 : memref<1x1x125x80xi32, #tpu.memory_space<hbm>> -> memref<125x80xi32, #tpu.memory_space<hbm>>
      %dma_wait3A_39 = arith.constant 0 : i32
      %dma_wait3A_40 = arith.constant 0 : i32
      %dma_wait3A_41 = tpu.memref_slice %arg6[%run_scoped3A_5, %dma_wait3A_39, %dma_wait3A_40] : memref<2x125x80xi32, #tpu.memory_space<vmem>> -> memref<1x125x80xi32, #tpu.memory_space<vmem>>
      %dma_wait3A_42 = tpu.memref_squeeze %dma_wait3A_41 : memref<1x125x80xi32, #tpu.memory_space<vmem>> -> memref<125x80xi32, #tpu.memory_space<vmem>>
      %dma_wait3A_43 = arith.constant 0 : i32
      %dma_wait3A_44 = arith.constant 0 : i32
      %dma_wait3A_45 = tpu.memref_slice %arg3[%run_scoped3A_4, %add3A, %dma_wait3A_43, %dma_wait3A_44] : memref<2x32x125x80xi32, #tpu.memory_space<hbm>> -> memref<1x1x125x80xi32, #tpu.memory_space<hbm>>
      %dma_wait3A_46 = tpu.memref_squeeze %dma_wait3A_45 : memref<1x1x125x80xi32, #tpu.memory_space<hbm>> -> memref<125x80xi32, #tpu.memory_space<hbm>>
      tpu.wait_dma2 semaphore(%run_scoped3A_16 : memref<!tpu.dma_semaphore, #tpu.memory_space<semaphore_mem>>) src(%dma_wait3A_46 : memref<125x80xi32, #tpu.memory_space<hbm>>) dst(%dma_wait3A_42 : memref<125x80xi32, #tpu.memory_space<vmem>>)
      tpu.yield
    }) : () -> ()
    %barrier3A = arith.constant 0 : index
    tpu.barrier barrier_id(%barrier3A)
    %scan3A = arith.constant 0 : i32
    %scan3A_6 = arith.constant 0 : i32
    %scan3A_7 = arith.constant 125 : i32
    %scan3A_8 = arith.addi %scan3A_6, %scan3A_7 : i32
    %scan3A_9 = arith.constant 1 : i32
    scf.for %scan3A_16 = %scan3A_6 to %scan3A_8 step %scan3A_9  : i32 {
      %dma_start3A = arith.constant 0 : i32
      %dma_start3A_17 = arith.constant 0 : i32
      %dma_start3A_18 = tpu.memref_slice %arg6[%dma_start3A, %scan3A_16, %dma_start3A_17] : memref<2x125x80xi32, #tpu.memory_space<vmem>> -> memref<1x1x80xi32, #tpu.memory_space<vmem>>
      %dma_start3A_19 = tpu.memref_squeeze %dma_start3A_18 : memref<1x1x80xi32, #tpu.memory_space<vmem>> -> memref<80xi32, #tpu.memory_space<vmem>>
      %dma_start3A_20 = arith.constant 0 : i32
      %dma_start3A_21 = arith.constant 0 : i32
      %dma_start3A_22 = tpu.memref_slice %arg2[%dma_start3A_20, %dma_start3A_21] : memref<10240x128xf32, #tpu.memory_space<hbm>> -> memref<10240x128xf32, #tpu.memory_space<hbm>>
      tpu.enqueue_indirect_dma source(%dma_start3A_22 : memref<10240x128xf32, #tpu.memory_space<hbm>>) target(%arg7 : memref<80x128xf32, #tpu.memory_space<vmem>>) offsets(%dma_start3A_19 : memref<80xi32, #tpu.memory_space<vmem>>) semaphore(%arg9 : memref<!tpu.dma_semaphore, #tpu.memory_space<semaphore_mem>>)
      %dma_wait3A = arith.constant 0 : i32
      %dma_wait3A_23 = arith.constant 0 : i32
      %dma_wait3A_24 = tpu.memref_slice %arg6[%dma_wait3A, %scan3A_16, %dma_wait3A_23] : memref<2x125x80xi32, #tpu.memory_space<vmem>> -> memref<1x1x80xi32, #tpu.memory_space<vmem>>
      %dma_wait3A_25 = tpu.memref_squeeze %dma_wait3A_24 : memref<1x1x80xi32, #tpu.memory_space<vmem>> -> memref<80xi32, #tpu.memory_space<vmem>>
      %dma_wait3A_26 = arith.constant 0 : i32
      %dma_wait3A_27 = arith.constant 0 : i32
      %dma_wait3A_28 = tpu.memref_slice %arg2[%dma_wait3A_26, %dma_wait3A_27] : memref<10240x128xf32, #tpu.memory_space<hbm>> -> memref<10240x128xf32, #tpu.memory_space<hbm>>
      tpu.wait_indirect_dma semaphore(%arg9 : memref<!tpu.dma_semaphore, #tpu.memory_space<semaphore_mem>>) src(%dma_wait3A_28 : memref<10240x128xf32, #tpu.memory_space<hbm>>) dst(%arg7 : memref<80x128xf32, #tpu.memory_space<vmem>>)
      %run_scoped3A_29 = arith.constant 1 : i32
      "tpu.region"() ({
        %run_scoped3A_30 = tpu.sem_alloc : memref<!tpu.dma_semaphore, #tpu.memory_space<semaphore_mem>>
        %dma_start3A_31 = arith.constant 0 : i32
        %dma_start3A_32 = tpu.memref_slice %arg6[%run_scoped3A_29, %scan3A_16, %dma_start3A_31] : memref<2x125x80xi32, #tpu.memory_space<vmem>> -> memref<1x1x80xi32, #tpu.memory_space<vmem>>
        %dma_start3A_33 = tpu.memref_squeeze %dma_start3A_32 : memref<1x1x80xi32, #tpu.memory_space<vmem>> -> memref<80xi32, #tpu.memory_space<vmem>>
        %dma_start3A_34 = arith.constant 0 : i32
        %dma_start3A_35 = arith.constant 0 : i32
        %dma_start3A_36 = tpu.memref_slice %arg8[%dma_start3A_34, %dma_start3A_35] : memref<10240x128xf32, #tpu.memory_space<vmem_shared>> -> memref<10240x128xf32, #tpu.memory_space<vmem_shared>>
        tpu.enqueue_indirect_dma source(%arg7 : memref<80x128xf32, #tpu.memory_space<vmem>>) target(%dma_start3A_36 : memref<10240x128xf32, #tpu.memory_space<vmem_shared>>) offsets(%dma_start3A_33 : memref<80xi32, #tpu.memory_space<vmem>>) semaphore(%run_scoped3A_30 : memref<!tpu.dma_semaphore, #tpu.memory_space<semaphore_mem>>) {add = true}
        %dma_wait3A_37 = arith.constant 0 : i32
        %dma_wait3A_38 = tpu.memref_slice %arg6[%run_scoped3A_29, %scan3A_16, %dma_wait3A_37] : memref<2x125x80xi32, #tpu.memory_space<vmem>> -> memref<1x1x80xi32, #tpu.memory_space<vmem>>
        %dma_wait3A_39 = tpu.memref_squeeze %dma_wait3A_38 : memref<1x1x80xi32, #tpu.memory_space<vmem>> -> memref<80xi32, #tpu.memory_space<vmem>>
        %dma_wait3A_40 = arith.constant 0 : i32
        %dma_wait3A_41 = arith.constant 0 : i32
        %dma_wait3A_42 = tpu.memref_slice %arg8[%dma_wait3A_40, %dma_wait3A_41] : memref<10240x128xf32, #tpu.memory_space<vmem_shared>> -> memref<10240x128xf32, #tpu.memory_space<vmem_shared>>
        tpu.wait_indirect_dma semaphore(%run_scoped3A_30 : memref<!tpu.dma_semaphore, #tpu.memory_space<semaphore_mem>>) src(%arg7 : memref<80x128xf32, #tpu.memory_space<vmem>>) dst(%dma_wait3A_42 : memref<10240x128xf32, #tpu.memory_space<vmem_shared>>)
        tpu.yield
      }) : () -> ()
    }
    %scan3A_10 = arith.constant 125 : i32
    %barrier3A_11 = arith.constant 0 : index
    tpu.barrier barrier_id(%barrier3A_11)
    %mul3A_12 = arith.constant 640 : i32
    %mul3A_13 = arith.muli %arg1, %mul3A_12 : i32
    %mul3A_14 = arith.constant 640 : i32
    %mul3A_15 = arith.muli %arg1, %mul3A_14 : i32
    "tpu.region"() ({
      %run_scoped3A_16 = tpu.sem_alloc : memref<!tpu.dma_semaphore, #tpu.memory_space<semaphore_mem>>
      %dma_start3A = arith.constant 0 : i32
      %dma_start3A_17 = tpu.memref_slice %arg5[%arg0, %mul3A_15, %dma_start3A] : memref<2x10240x128xf32, #tpu.memory_space<hbm>> -> memref<1x640x128xf32, #tpu.memory_space<hbm>>
      %dma_start3A_18 = tpu.memref_squeeze %dma_start3A_17 : memref<1x640x128xf32, #tpu.memory_space<hbm>> -> memref<640x128xf32, #tpu.memory_space<hbm>>
      %dma_start3A_19 = arith.constant 0 : i32
      %dma_start3A_20 = tpu.memref_slice %arg8[%mul3A_13, %dma_start3A_19] : memref<10240x128xf32, #tpu.memory_space<vmem_shared>> -> memref<640x128xf32, #tpu.memory_space<vmem_shared>>
      tpu.enqueue_dma source(%dma_start3A_20 : memref<640x128xf32, #tpu.memory_space<vmem_shared>>) target(%dma_start3A_18 : memref<640x128xf32, #tpu.memory_space<hbm>>) target_semaphore(%run_scoped3A_16 : memref<!tpu.dma_semaphore, #tpu.memory_space<semaphore_mem>>)
      %dma_wait3A = arith.constant 0 : i32
      %dma_wait3A_21 = tpu.memref_slice %arg5[%arg0, %mul3A_15, %dma_wait3A] : memref<2x10240x128xf32, #tpu.memory_space<hbm>> -> memref<1x640x128xf32, #tpu.memory_space<hbm>>
      %dma_wait3A_22 = tpu.memref_squeeze %dma_wait3A_21 : memref<1x640x128xf32, #tpu.memory_space<hbm>> -> memref<640x128xf32, #tpu.memory_space<hbm>>
      %dma_wait3A_23 = arith.constant 0 : i32
      %dma_wait3A_24 = tpu.memref_slice %arg8[%mul3A_13, %dma_wait3A_23] : memref<10240x128xf32, #tpu.memory_space<vmem_shared>> -> memref<640x128xf32, #tpu.memory_space<vmem_shared>>
      tpu.wait_dma2 semaphore(%run_scoped3A_16 : memref<!tpu.dma_semaphore, #tpu.memory_space<semaphore_mem>>) src(%dma_wait3A_24 : memref<640x128xf32, #tpu.memory_space<vmem_shared>>) dst(%dma_wait3A_22 : memref<640x128xf32, #tpu.memory_space<hbm>>)
      tpu.yield
    }) : () -> ()
    return
  }
}

#map = affine_map<(d0, d1) -> (0, 0)>
#map1 = affine_map<(d0, d1) -> (0, 0, 0, 0)>
#map2 = affine_map<(d0, d1) -> (0, 0, 0)>
module attributes {stable_mosaic.version = 14 : i64} {
  func.func @_sc_aggregate(%arg0: i32, %arg1: i32, %arg2: memref<10240x128xf32, #tpu.memory_space<hbm>>, %arg3: memref<2x32x125x80xi32, #tpu.memory_space<hbm>>, %arg4: memref<640x128xf32, #tpu.memory_space<hbm>>, %arg5: memref<2x10240x128xf32, #tpu.memory_space<hbm>>, %arg6: memref<2x125x80xi32, #tpu.memory_space<vmem>>, %arg7: memref<80x128xf32, #tpu.memory_space<vmem>>, %arg8: memref<10240x128xf32, #tpu.memory_space<vmem_shared>>, %arg9: memref<!tpu.dma_semaphore, #tpu.memory_space<semaphore_mem>>) attributes {dimension_semantics = [#tpu.dimension_semantics<core_parallel>, #tpu.dimension_semantics<subcore_parallel>], iteration_bounds = array<i64: 2, 16>, scalar_prefetch = 0 : i64, scratch_operands = 4 : i64, tpu.core_type = #tpu.core_type<sc_vector_subcore>, window_params = [{transform_indices = #map}, {transform_indices = #map1}, {transform_indices = #map}, {transform_indices = #map2}]} {
    %mul3A = arith.constant 2 : i32
    %mul3A_0 = arith.muli %arg1, %mul3A : i32
    %add3A = arith.addi %mul3A_0, %arg0 : i32
    %mul3A_1 = arith.constant 640 : i32
    %mul3A_2 = arith.muli %arg1, %mul3A_1 : i32
    "tpu.region"() ({
      %run_scoped3A_16 = tpu.sem_alloc : memref<!tpu.dma_semaphore, #tpu.memory_space<semaphore_mem>>
      %dma_start3A = arith.constant 0 : i32
      %dma_start3A_17 = tpu.memref_slice %arg8[%mul3A_2, %dma_start3A] : memref<10240x128xf32, #tpu.memory_space<vmem_shared>> -> memref<640x128xf32, #tpu.memory_space<vmem_shared>>
      tpu.enqueue_dma source(%arg4 : memref<640x128xf32, #tpu.memory_space<hbm>>) target(%dma_start3A_17 : memref<640x128xf32, #tpu.memory_space<vmem_shared>>) target_semaphore(%run_scoped3A_16 : memref<!tpu.dma_semaphore, #tpu.memory_space<semaphore_mem>>)
      %dma_wait3A = arith.constant 0 : i32
      %dma_wait3A_18 = tpu.memref_slice %arg8[%mul3A_2, %dma_wait3A] : memref<10240x128xf32, #tpu.memory_space<vmem_shared>> -> memref<640x128xf32, #tpu.memory_space<vmem_shared>>
      tpu.wait_dma2 semaphore(%run_scoped3A_16 : memref<!tpu.dma_semaphore, #tpu.memory_space<semaphore_mem>>) src(%arg4 : memref<640x128xf32, #tpu.memory_space<hbm>>) dst(%dma_wait3A_18 : memref<640x128xf32, #tpu.memory_space<vmem_shared>>)
      tpu.yield
    }) : () -> ()
    %run_scoped3A = arith.constant 0 : i32
    %run_scoped3A_3 = arith.constant 0 : i32
    "tpu.region"() ({
      %run_scoped3A_16 = tpu.sem_alloc : memref<!tpu.dma_semaphore, #tpu.memory_space<semaphore_mem>>
      %dma_start3A = arith.constant 0 : i32
      %dma_start3A_17 = arith.constant 0 : i32
      %dma_start3A_18 = tpu.memref_slice %arg6[%run_scoped3A_3, %dma_start3A, %dma_start3A_17] : memref<2x125x80xi32, #tpu.memory_space<vmem>> -> memref<1x125x80xi32, #tpu.memory_space<vmem>>
      %dma_start3A_19 = tpu.memref_squeeze %dma_start3A_18 : memref<1x125x80xi32, #tpu.memory_space<vmem>> -> memref<125x80xi32, #tpu.memory_space<vmem>>
      %dma_start3A_20 = arith.constant 0 : i32
      %dma_start3A_21 = arith.constant 0 : i32
      %dma_start3A_22 = tpu.memref_slice %arg3[%run_scoped3A, %add3A, %dma_start3A_20, %dma_start3A_21] : memref<2x32x125x80xi32, #tpu.memory_space<hbm>> -> memref<1x1x125x80xi32, #tpu.memory_space<hbm>>
      %dma_start3A_23 = tpu.memref_squeeze %dma_start3A_22 : memref<1x1x125x80xi32, #tpu.memory_space<hbm>> -> memref<125x80xi32, #tpu.memory_space<hbm>>
      %dma_start3A_24 = arith.constant 0 : i32
      %dma_start3A_25 = arith.constant 0 : i32
      %dma_start3A_26 = tpu.memref_slice %arg6[%run_scoped3A_3, %dma_start3A_24, %dma_start3A_25] : memref<2x125x80xi32, #tpu.memory_space<vmem>> -> memref<1x125x80xi32, #tpu.memory_space<vmem>>
      %dma_start3A_27 = tpu.memref_squeeze %dma_start3A_26 : memref<1x125x80xi32, #tpu.memory_space<vmem>> -> memref<125x80xi32, #tpu.memory_space<vmem>>
      %dma_start3A_28 = arith.constant 0 : i32
      %dma_start3A_29 = arith.constant 0 : i32
      %dma_start3A_30 = tpu.memref_slice %arg3[%run_scoped3A, %add3A, %dma_start3A_28, %dma_start3A_29] : memref<2x32x125x80xi32, #tpu.memory_space<hbm>> -> memref<1x1x125x80xi32, #tpu.memory_space<hbm>>
      %dma_start3A_31 = tpu.memref_squeeze %dma_start3A_30 : memref<1x1x125x80xi32, #tpu.memory_space<hbm>> -> memref<125x80xi32, #tpu.memory_space<hbm>>
      tpu.enqueue_dma source(%dma_start3A_31 : memref<125x80xi32, #tpu.memory_space<hbm>>) target(%dma_start3A_27 : memref<125x80xi32, #tpu.memory_space<vmem>>) target_semaphore(%run_scoped3A_16 : memref<!tpu.dma_semaphore, #tpu.memory_space<semaphore_mem>>)
      %dma_wait3A = arith.constant 0 : i32
      %dma_wait3A_32 = arith.constant 0 : i32
      %dma_wait3A_33 = tpu.memref_slice %arg6[%run_scoped3A_3, %dma_wait3A, %dma_wait3A_32] : memref<2x125x80xi32, #tpu.memory_space<vmem>> -> memref<1x125x80xi32, #tpu.memory_space<vmem>>
      %dma_wait3A_34 = tpu.memref_squeeze %dma_wait3A_33 : memref<1x125x80xi32, #tpu.memory_space<vmem>> -> memref<125x80xi32, #tpu.memory_space<vmem>>
      %dma_wait3A_35 = arith.constant 0 : i32
      %dma_wait3A_36 = arith.constant 0 : i32
      %dma_wait3A_37 = tpu.memref_slice %arg3[%run_scoped3A, %add3A, %dma_wait3A_35, %dma_wait3A_36] : memref<2x32x125x80xi32, #tpu.memory_space<hbm>> -> memref<1x1x125x80xi32, #tpu.memory_space<hbm>>
      %dma_wait3A_38 = tpu.memref_squeeze %dma_wait3A_37 : memref<1x1x125x80xi32, #tpu.memory_space<hbm>> -> memref<125x80xi32, #tpu.memory_space<hbm>>
      %dma_wait3A_39 = arith.constant 0 : i32
      %dma_wait3A_40 = arith.constant 0 : i32
      %dma_wait3A_41 = tpu.memref_slice %arg6[%run_scoped3A_3, %dma_wait3A_39, %dma_wait3A_40] : memref<2x125x80xi32, #tpu.memory_space<vmem>> -> memref<1x125x80xi32, #tpu.memory_space<vmem>>
      %dma_wait3A_42 = tpu.memref_squeeze %dma_wait3A_41 : memref<1x125x80xi32, #tpu.memory_space<vmem>> -> memref<125x80xi32, #tpu.memory_space<vmem>>
      %dma_wait3A_43 = arith.constant 0 : i32
      %dma_wait3A_44 = arith.constant 0 : i32
      %dma_wait3A_45 = tpu.memref_slice %arg3[%run_scoped3A, %add3A, %dma_wait3A_43, %dma_wait3A_44] : memref<2x32x125x80xi32, #tpu.memory_space<hbm>> -> memref<1x1x125x80xi32, #tpu.memory_space<hbm>>
      %dma_wait3A_46 = tpu.memref_squeeze %dma_wait3A_45 : memref<1x1x125x80xi32, #tpu.memory_space<hbm>> -> memref<125x80xi32, #tpu.memory_space<hbm>>
      tpu.wait_dma2 semaphore(%run_scoped3A_16 : memref<!tpu.dma_semaphore, #tpu.memory_space<semaphore_mem>>) src(%dma_wait3A_46 : memref<125x80xi32, #tpu.memory_space<hbm>>) dst(%dma_wait3A_42 : memref<125x80xi32, #tpu.memory_space<vmem>>)
      tpu.yield
    }) : () -> ()
    %run_scoped3A_4 = arith.constant 1 : i32
    %run_scoped3A_5 = arith.constant 1 : i32
    "tpu.region"() ({
      %run_scoped3A_16 = tpu.sem_alloc : memref<!tpu.dma_semaphore, #tpu.memory_space<semaphore_mem>>
      %dma_start3A = arith.constant 0 : i32
      %dma_start3A_17 = arith.constant 0 : i32
      %dma_start3A_18 = tpu.memref_slice %arg6[%run_scoped3A_5, %dma_start3A, %dma_start3A_17] : memref<2x125x80xi32, #tpu.memory_space<vmem>> -> memref<1x125x80xi32, #tpu.memory_space<vmem>>
      %dma_start3A_19 = tpu.memref_squeeze %dma_start3A_18 : memref<1x125x80xi32, #tpu.memory_space<vmem>> -> memref<125x80xi32, #tpu.memory_space<vmem>>
      %dma_start3A_20 = arith.constant 0 : i32
      %dma_start3A_21 = arith.constant 0 : i32
      %dma_start3A_22 = tpu.memref_slice %arg3[%run_scoped3A_4, %add3A, %dma_start3A_20, %dma_start3A_21] : memref<2x32x125x80xi32, #tpu.memory_space<hbm>> -> memref<1x1x125x80xi32, #tpu.memory_space<hbm>>
      %dma_start3A_23 = tpu.memref_squeeze %dma_start3A_22 : memref<1x1x125x80xi32, #tpu.memory_space<hbm>> -> memref<125x80xi32, #tpu.memory_space<hbm>>
      %dma_start3A_24 = arith.constant 0 : i32
      %dma_start3A_25 = arith.constant 0 : i32
      %dma_start3A_26 = tpu.memref_slice %arg6[%run_scoped3A_5, %dma_start3A_24, %dma_start3A_25] : memref<2x125x80xi32, #tpu.memory_space<vmem>> -> memref<1x125x80xi32, #tpu.memory_space<vmem>>
      %dma_start3A_27 = tpu.memref_squeeze %dma_start3A_26 : memref<1x125x80xi32, #tpu.memory_space<vmem>> -> memref<125x80xi32, #tpu.memory_space<vmem>>
      %dma_start3A_28 = arith.constant 0 : i32
      %dma_start3A_29 = arith.constant 0 : i32
      %dma_start3A_30 = tpu.memref_slice %arg3[%run_scoped3A_4, %add3A, %dma_start3A_28, %dma_start3A_29] : memref<2x32x125x80xi32, #tpu.memory_space<hbm>> -> memref<1x1x125x80xi32, #tpu.memory_space<hbm>>
      %dma_start3A_31 = tpu.memref_squeeze %dma_start3A_30 : memref<1x1x125x80xi32, #tpu.memory_space<hbm>> -> memref<125x80xi32, #tpu.memory_space<hbm>>
      tpu.enqueue_dma source(%dma_start3A_31 : memref<125x80xi32, #tpu.memory_space<hbm>>) target(%dma_start3A_27 : memref<125x80xi32, #tpu.memory_space<vmem>>) target_semaphore(%run_scoped3A_16 : memref<!tpu.dma_semaphore, #tpu.memory_space<semaphore_mem>>)
      %dma_wait3A = arith.constant 0 : i32
      %dma_wait3A_32 = arith.constant 0 : i32
      %dma_wait3A_33 = tpu.memref_slice %arg6[%run_scoped3A_5, %dma_wait3A, %dma_wait3A_32] : memref<2x125x80xi32, #tpu.memory_space<vmem>> -> memref<1x125x80xi32, #tpu.memory_space<vmem>>
      %dma_wait3A_34 = tpu.memref_squeeze %dma_wait3A_33 : memref<1x125x80xi32, #tpu.memory_space<vmem>> -> memref<125x80xi32, #tpu.memory_space<vmem>>
      %dma_wait3A_35 = arith.constant 0 : i32
      %dma_wait3A_36 = arith.constant 0 : i32
      %dma_wait3A_37 = tpu.memref_slice %arg3[%run_scoped3A_4, %add3A, %dma_wait3A_35, %dma_wait3A_36] : memref<2x32x125x80xi32, #tpu.memory_space<hbm>> -> memref<1x1x125x80xi32, #tpu.memory_space<hbm>>
      %dma_wait3A_38 = tpu.memref_squeeze %dma_wait3A_37 : memref<1x1x125x80xi32, #tpu.memory_space<hbm>> -> memref<125x80xi32, #tpu.memory_space<hbm>>
      %dma_wait3A_39 = arith.constant 0 : i32
      %dma_wait3A_40 = arith.constant 0 : i32
      %dma_wait3A_41 = tpu.memref_slice %arg6[%run_scoped3A_5, %dma_wait3A_39, %dma_wait3A_40] : memref<2x125x80xi32, #tpu.memory_space<vmem>> -> memref<1x125x80xi32, #tpu.memory_space<vmem>>
      %dma_wait3A_42 = tpu.memref_squeeze %dma_wait3A_41 : memref<1x125x80xi32, #tpu.memory_space<vmem>> -> memref<125x80xi32, #tpu.memory_space<vmem>>
      %dma_wait3A_43 = arith.constant 0 : i32
      %dma_wait3A_44 = arith.constant 0 : i32
      %dma_wait3A_45 = tpu.memref_slice %arg3[%run_scoped3A_4, %add3A, %dma_wait3A_43, %dma_wait3A_44] : memref<2x32x125x80xi32, #tpu.memory_space<hbm>> -> memref<1x1x125x80xi32, #tpu.memory_space<hbm>>
      %dma_wait3A_46 = tpu.memref_squeeze %dma_wait3A_45 : memref<1x1x125x80xi32, #tpu.memory_space<hbm>> -> memref<125x80xi32, #tpu.memory_space<hbm>>
      tpu.wait_dma2 semaphore(%run_scoped3A_16 : memref<!tpu.dma_semaphore, #tpu.memory_space<semaphore_mem>>) src(%dma_wait3A_46 : memref<125x80xi32, #tpu.memory_space<hbm>>) dst(%dma_wait3A_42 : memref<125x80xi32, #tpu.memory_space<vmem>>)
      tpu.yield
    }) : () -> ()
    %barrier3A = arith.constant 0 : index
    tpu.barrier barrier_id(%barrier3A)
    %scan3A = arith.constant 0 : i32
    %scan3A_6 = arith.constant 0 : i32
    %scan3A_7 = arith.constant 125 : i32
    %scan3A_8 = arith.addi %scan3A_6, %scan3A_7 : i32
    %scan3A_9 = arith.constant 1 : i32
    scf.for %scan3A_16 = %scan3A_6 to %scan3A_8 step %scan3A_9  : i32 {
      %dma_start3A = arith.constant 0 : i32
      %dma_start3A_17 = arith.constant 0 : i32
      %dma_start3A_18 = tpu.memref_slice %arg6[%dma_start3A, %scan3A_16, %dma_start3A_17] : memref<2x125x80xi32, #tpu.memory_space<vmem>> -> memref<1x1x80xi32, #tpu.memory_space<vmem>>
      %dma_start3A_19 = tpu.memref_squeeze %dma_start3A_18 : memref<1x1x80xi32, #tpu.memory_space<vmem>> -> memref<80xi32, #tpu.memory_space<vmem>>
      %dma_start3A_20 = arith.constant 0 : i32
      %dma_start3A_21 = arith.constant 0 : i32
      %dma_start3A_22 = tpu.memref_slice %arg2[%dma_start3A_20, %dma_start3A_21] : memref<10240x128xf32, #tpu.memory_space<hbm>> -> memref<10240x128xf32, #tpu.memory_space<hbm>>
      tpu.enqueue_indirect_dma source(%dma_start3A_22 : memref<10240x128xf32, #tpu.memory_space<hbm>>) target(%arg7 : memref<80x128xf32, #tpu.memory_space<vmem>>) offsets(%dma_start3A_19 : memref<80xi32, #tpu.memory_space<vmem>>) semaphore(%arg9 : memref<!tpu.dma_semaphore, #tpu.memory_space<semaphore_mem>>)
      %dma_wait3A = arith.constant 0 : i32
      %dma_wait3A_23 = arith.constant 0 : i32
      %dma_wait3A_24 = tpu.memref_slice %arg6[%dma_wait3A, %scan3A_16, %dma_wait3A_23] : memref<2x125x80xi32, #tpu.memory_space<vmem>> -> memref<1x1x80xi32, #tpu.memory_space<vmem>>
      %dma_wait3A_25 = tpu.memref_squeeze %dma_wait3A_24 : memref<1x1x80xi32, #tpu.memory_space<vmem>> -> memref<80xi32, #tpu.memory_space<vmem>>
      %dma_wait3A_26 = arith.constant 0 : i32
      %dma_wait3A_27 = arith.constant 0 : i32
      %dma_wait3A_28 = tpu.memref_slice %arg2[%dma_wait3A_26, %dma_wait3A_27] : memref<10240x128xf32, #tpu.memory_space<hbm>> -> memref<10240x128xf32, #tpu.memory_space<hbm>>
      tpu.wait_indirect_dma semaphore(%arg9 : memref<!tpu.dma_semaphore, #tpu.memory_space<semaphore_mem>>) src(%dma_wait3A_28 : memref<10240x128xf32, #tpu.memory_space<hbm>>) dst(%arg7 : memref<80x128xf32, #tpu.memory_space<vmem>>)
      %run_scoped3A_29 = arith.constant 1 : i32
      "tpu.region"() ({
        %run_scoped3A_30 = tpu.sem_alloc : memref<!tpu.dma_semaphore, #tpu.memory_space<semaphore_mem>>
        %dma_start3A_31 = arith.constant 0 : i32
        %dma_start3A_32 = tpu.memref_slice %arg6[%run_scoped3A_29, %scan3A_16, %dma_start3A_31] : memref<2x125x80xi32, #tpu.memory_space<vmem>> -> memref<1x1x80xi32, #tpu.memory_space<vmem>>
        %dma_start3A_33 = tpu.memref_squeeze %dma_start3A_32 : memref<1x1x80xi32, #tpu.memory_space<vmem>> -> memref<80xi32, #tpu.memory_space<vmem>>
        %dma_start3A_34 = arith.constant 0 : i32
        %dma_start3A_35 = arith.constant 0 : i32
        %dma_start3A_36 = tpu.memref_slice %arg8[%dma_start3A_34, %dma_start3A_35] : memref<10240x128xf32, #tpu.memory_space<vmem_shared>> -> memref<10240x128xf32, #tpu.memory_space<vmem_shared>>
        tpu.enqueue_indirect_dma source(%arg7 : memref<80x128xf32, #tpu.memory_space<vmem>>) target(%dma_start3A_36 : memref<10240x128xf32, #tpu.memory_space<vmem_shared>>) offsets(%dma_start3A_33 : memref<80xi32, #tpu.memory_space<vmem>>) semaphore(%run_scoped3A_30 : memref<!tpu.dma_semaphore, #tpu.memory_space<semaphore_mem>>) {add = true}
        %dma_wait3A_37 = arith.constant 0 : i32
        %dma_wait3A_38 = tpu.memref_slice %arg6[%run_scoped3A_29, %scan3A_16, %dma_wait3A_37] : memref<2x125x80xi32, #tpu.memory_space<vmem>> -> memref<1x1x80xi32, #tpu.memory_space<vmem>>
        %dma_wait3A_39 = tpu.memref_squeeze %dma_wait3A_38 : memref<1x1x80xi32, #tpu.memory_space<vmem>> -> memref<80xi32, #tpu.memory_space<vmem>>
        %dma_wait3A_40 = arith.constant 0 : i32
        %dma_wait3A_41 = arith.constant 0 : i32
        %dma_wait3A_42 = tpu.memref_slice %arg8[%dma_wait3A_40, %dma_wait3A_41] : memref<10240x128xf32, #tpu.memory_space<vmem_shared>> -> memref<10240x128xf32, #tpu.memory_space<vmem_shared>>
        tpu.wait_indirect_dma semaphore(%run_scoped3A_30 : memref<!tpu.dma_semaphore, #tpu.memory_space<semaphore_mem>>) src(%arg7 : memref<80x128xf32, #tpu.memory_space<vmem>>) dst(%dma_wait3A_42 : memref<10240x128xf32, #tpu.memory_space<vmem_shared>>)
        tpu.yield
      }) : () -> ()
    }
    %scan3A_10 = arith.constant 125 : i32
    %barrier3A_11 = arith.constant 0 : index
    tpu.barrier barrier_id(%barrier3A_11)
    %mul3A_12 = arith.constant 640 : i32
    %mul3A_13 = arith.muli %arg1, %mul3A_12 : i32
    %mul3A_14 = arith.constant 640 : i32
    %mul3A_15 = arith.muli %arg1, %mul3A_14 : i32
    "tpu.region"() ({
      %run_scoped3A_16 = tpu.sem_alloc : memref<!tpu.dma_semaphore, #tpu.memory_space<semaphore_mem>>
      %dma_start3A = arith.constant 0 : i32
      %dma_start3A_17 = tpu.memref_slice %arg5[%arg0, %mul3A_15, %dma_start3A] : memref<2x10240x128xf32, #tpu.memory_space<hbm>> -> memref<1x640x128xf32, #tpu.memory_space<hbm>>
      %dma_start3A_18 = tpu.memref_squeeze %dma_start3A_17 : memref<1x640x128xf32, #tpu.memory_space<hbm>> -> memref<640x128xf32, #tpu.memory_space<hbm>>
      %dma_start3A_19 = arith.constant 0 : i32
      %dma_start3A_20 = tpu.memref_slice %arg8[%mul3A_13, %dma_start3A_19] : memref<10240x128xf32, #tpu.memory_space<vmem_shared>> -> memref<640x128xf32, #tpu.memory_space<vmem_shared>>
      tpu.enqueue_dma source(%dma_start3A_20 : memref<640x128xf32, #tpu.memory_space<vmem_shared>>) target(%dma_start3A_18 : memref<640x128xf32, #tpu.memory_space<hbm>>) target_semaphore(%run_scoped3A_16 : memref<!tpu.dma_semaphore, #tpu.memory_space<semaphore_mem>>)
      %dma_wait3A = arith.constant 0 : i32
      %dma_wait3A_21 = tpu.memref_slice %arg5[%arg0, %mul3A_15, %dma_wait3A] : memref<2x10240x128xf32, #tpu.memory_space<hbm>> -> memref<1x640x128xf32, #tpu.memory_space<hbm>>
      %dma_wait3A_22 = tpu.memref_squeeze %dma_wait3A_21 : memref<1x640x128xf32, #tpu.memory_space<hbm>> -> memref<640x128xf32, #tpu.memory_space<hbm>>
      %dma_wait3A_23 = arith.constant 0 : i32
      %dma_wait3A_24 = tpu.memref_slice %arg8[%mul3A_13, %dma_wait3A_23] : memref<10240x128xf32, #tpu.memory_space<vmem_shared>> -> memref<640x128xf32, #tpu.memory_space<vmem_shared>>
      tpu.wait_dma2 semaphore(%run_scoped3A_16 : memref<!tpu.dma_semaphore, #tpu.memory_space<semaphore_mem>>) src(%dma_wait3A_24 : memref<640x128xf32, #tpu.memory_space<vmem_shared>>) dst(%dma_wait3A_22 : memref<640x128xf32, #tpu.memory_space<hbm>>)
      tpu.yield
    }) : () -> ()
    return
  }
}

module attributes {stable_mosaic.version = 14 : i64} {
  func.func @_mlp_body(%arg0: i32, %arg1: memref<1024x128xf32, #tpu.memory_space<vmem>>, %arg2: memref<1024x128xf32, #tpu.memory_space<vmem>>, %arg3: memref<1024x128xf32, #tpu.memory_space<vmem>>, %arg4: memref<128x128xf32, #tpu.memory_space<vmem>>, %arg5: memref<1x128xf32, #tpu.memory_space<vmem>>, %arg6: memref<128x128xf32, #tpu.memory_space<vmem>>, %arg7: memref<1x128xf32, #tpu.memory_space<vmem>>, %arg8: memref<1024x128xf32, #tpu.memory_space<vmem>>) attributes {dimension_semantics = [#tpu.dimension_semantics<arbitrary>], iteration_bounds = array<i64: 10>, scalar_prefetch = 0 : i64, scratch_operands = 0 : i64, tpu.core_type = #tpu.core_type<tc>, window_params = [{transform_indices = @transform_0, window_bounds = array<i64: 1024, 128>}, {transform_indices = @transform_1, window_bounds = array<i64: 1024, 128>}, {transform_indices = @transform_2, window_bounds = array<i64: 1024, 128>}, {pipeline_mode = #tpu.pipeline_mode<synchronous>, transform_indices = @transform_3, window_bounds = array<i64: 128, 128>}, {pipeline_mode = #tpu.pipeline_mode<synchronous>, transform_indices = @transform_4, window_bounds = array<i64: 1, 128>}, {pipeline_mode = #tpu.pipeline_mode<synchronous>, transform_indices = @transform_5, window_bounds = array<i64: 128, 128>}, {pipeline_mode = #tpu.pipeline_mode<synchronous>, transform_indices = @transform_6, window_bounds = array<i64: 1, 128>}, {transform_indices = @transform_7, window_bounds = array<i64: 1024, 128>}]} {
    %get3A = arith.constant 0 : index
    %get3A_0 = arith.constant 0 : index
    %get3A_1 = vector.load %arg1[%get3A, %get3A_0] : memref<1024x128xf32, #tpu.memory_space<vmem>>, vector<1024x128xf32>
    %get3A_2 = arith.constant 0 : index
    %get3A_3 = arith.constant 0 : index
    %get3A_4 = vector.load %arg2[%get3A_2, %get3A_3] : memref<1024x128xf32, #tpu.memory_space<vmem>>, vector<1024x128xf32>
    %add3A = arith.addf %get3A_1, %get3A_4 : vector<1024x128xf32>
    %get3A_5 = arith.constant 0 : index
    %get3A_6 = arith.constant 0 : index
    %get3A_7 = vector.load %arg3[%get3A_5, %get3A_6] : memref<1024x128xf32, #tpu.memory_space<vmem>>, vector<1024x128xf32>
    %add3A_8 = arith.addf %add3A, %get3A_7 : vector<1024x128xf32>
    %get3A_9 = arith.constant 0 : index
    %get3A_10 = arith.constant 0 : index
    %get3A_11 = vector.load %arg4[%get3A_9, %get3A_10] : memref<128x128xf32, #tpu.memory_space<vmem>>, vector<128x128xf32>
    %dot_general3A = arith.constant dense<0.000000e+00> : vector<1024x128xf32>
    %dot_general3A_12 = tpu.matmul %add3A_8, %get3A_11, %dot_general3A {dimension_numbers = #tpu.dot_dimension_numbers<[1], [0], [0], [1], [0, 0, 1, 1], [], []>, transpose_lhs_hint = false} : vector<1024x128xf32>, vector<128x128xf32>, vector<1024x128xf32> -> vector<1024x128xf32>
    %get3A_13 = arith.constant 0 : index
    %get3A_14 = arith.constant 0 : index
    %get3A_15 = vector.load %arg5[%get3A_13, %get3A_14] : memref<1x128xf32, #tpu.memory_space<vmem>>, vector<1x128xf32>
    %add3A_16 = vector.broadcast %get3A_15 : vector<1x128xf32> to vector<1024x128xf32>
    %add3A_17 = arith.addf %dot_general3A_12, %add3A_16 : vector<1024x128xf32>
    %max3A = arith.constant 0.000000e+00 : f32
    %max3A_18 = vector.broadcast %max3A : f32 to vector<1024x128xf32>
    %max3A_19 = arith.maximumf %add3A_17, %max3A_18 : vector<1024x128xf32>
    %get3A_20 = arith.constant 0 : index
    %get3A_21 = arith.constant 0 : index
    %get3A_22 = vector.load %arg6[%get3A_20, %get3A_21] : memref<128x128xf32, #tpu.memory_space<vmem>>, vector<128x128xf32>
    %dot_general3A_23 = arith.constant dense<0.000000e+00> : vector<1024x128xf32>
    %dot_general3A_24 = tpu.matmul %max3A_19, %get3A_22, %dot_general3A_23 {dimension_numbers = #tpu.dot_dimension_numbers<[1], [0], [0], [1], [0, 0, 1, 1], [], []>, transpose_lhs_hint = false} : vector<1024x128xf32>, vector<128x128xf32>, vector<1024x128xf32> -> vector<1024x128xf32>
    %get3A_25 = arith.constant 0 : index
    %get3A_26 = arith.constant 0 : index
    %get3A_27 = vector.load %arg7[%get3A_25, %get3A_26] : memref<1x128xf32, #tpu.memory_space<vmem>>, vector<1x128xf32>
    %add3A_28 = vector.broadcast %get3A_27 : vector<1x128xf32> to vector<1024x128xf32>
    %add3A_29 = arith.addf %dot_general3A_24, %add3A_28 : vector<1024x128xf32>
    %max3A_30 = arith.constant 0.000000e+00 : f32
    %max3A_31 = vector.broadcast %max3A_30 : f32 to vector<1024x128xf32>
    %max3A_32 = arith.maximumf %add3A_29, %max3A_31 : vector<1024x128xf32>
    %swap3A = arith.constant 0 : index
    %swap3A_33 = arith.constant 0 : index
    %swap3A_34 = vector.load %arg8[%swap3A, %swap3A_33] : memref<1024x128xf32, #tpu.memory_space<vmem>>, vector<1024x128xf32>
    tpu.vector_store %arg8[%swap3A, %swap3A_33], %max3A_32 {strides = array<i32>} : memref<1024x128xf32, #tpu.memory_space<vmem>>, vector<1024x128xf32>,
    return
  }
  func.func @transform_0(%arg0: i32) -> (i32, i32) {
    %c0_i32 = arith.constant 0 : i32
    %c0_i32_0 = arith.constant 0 : i32
    return %arg0, %c0_i32 : i32, i32
  }
  func.func @transform_1(%arg0: i32) -> (i32, i32) {
    %c0_i32 = arith.constant 0 : i32
    %c0_i32_0 = arith.constant 0 : i32
    return %arg0, %c0_i32 : i32, i32
  }
  func.func @transform_2(%arg0: i32) -> (i32, i32) {
    %c0_i32 = arith.constant 0 : i32
    %c0_i32_0 = arith.constant 0 : i32
    return %arg0, %c0_i32 : i32, i32
  }
  func.func @transform_3(%arg0: i32) -> (i32, i32) {
    %c0_i32 = arith.constant 0 : i32
    %c0_i32_0 = arith.constant 0 : i32
    %c0_i32_1 = arith.constant 0 : i32
    return %c0_i32, %c0_i32_0 : i32, i32
  }
  func.func @transform_4(%arg0: i32) -> (i32, i32) {
    %c0_i32 = arith.constant 0 : i32
    %c0_i32_0 = arith.constant 0 : i32
    %c0_i32_1 = arith.constant 0 : i32
    return %c0_i32, %c0_i32_0 : i32, i32
  }
  func.func @transform_5(%arg0: i32) -> (i32, i32) {
    %c0_i32 = arith.constant 0 : i32
    %c0_i32_0 = arith.constant 0 : i32
    %c0_i32_1 = arith.constant 0 : i32
    return %c0_i32, %c0_i32_0 : i32, i32
  }
  func.func @transform_6(%arg0: i32) -> (i32, i32) {
    %c0_i32 = arith.constant 0 : i32
    %c0_i32_0 = arith.constant 0 : i32
    %c0_i32_1 = arith.constant 0 : i32
    return %c0_i32, %c0_i32_0 : i32, i32
  }
  func.func @transform_7(%arg0: i32) -> (i32, i32) {
    %c0_i32 = arith.constant 0 : i32
    %c0_i32_0 = arith.constant 0 : i32
    return %arg0, %c0_i32 : i32, i32
  }
}

module attributes {stable_mosaic.version = 14 : i64} {
  func.func @_mlp_pool_body(%arg0: i32, %arg1: memref<1024x128xf32, #tpu.memory_space<vmem>>, %arg2: memref<1024x128xf32, #tpu.memory_space<vmem>>, %arg3: memref<1024x128xf32, #tpu.memory_space<vmem>>, %arg4: memref<128x128xf32, #tpu.memory_space<vmem>>, %arg5: memref<1x128xf32, #tpu.memory_space<vmem>>, %arg6: memref<128x128xf32, #tpu.memory_space<vmem>>, %arg7: memref<1x128xf32, #tpu.memory_space<vmem>>, %arg8: memref<1x1024xi32, #tpu.memory_space<vmem>>, %arg9: memref<128x10xf32, #tpu.memory_space<vmem>>, %arg10: memref<1x10xf32, #tpu.memory_space<vmem>>, %arg11: memref<64x10xf32, #tpu.memory_space<vmem>>, %arg12: memref<64x128xf32, #tpu.memory_space<vmem>>) attributes {dimension_semantics = [#tpu.dimension_semantics<arbitrary>], iteration_bounds = array<i64: 10>, scalar_prefetch = 0 : i64, scratch_operands = 1 : i64, tpu.core_type = #tpu.core_type<tc>, window_params = [{transform_indices = @transform_0, window_bounds = array<i64: 1024, 128>}, {transform_indices = @transform_1, window_bounds = array<i64: 1024, 128>}, {transform_indices = @transform_2, window_bounds = array<i64: 1024, 128>}, {pipeline_mode = #tpu.pipeline_mode<synchronous>, transform_indices = @transform_3, window_bounds = array<i64: 128, 128>}, {pipeline_mode = #tpu.pipeline_mode<synchronous>, transform_indices = @transform_4, window_bounds = array<i64: 1, 128>}, {pipeline_mode = #tpu.pipeline_mode<synchronous>, transform_indices = @transform_5, window_bounds = array<i64: 128, 128>}, {pipeline_mode = #tpu.pipeline_mode<synchronous>, transform_indices = @transform_6, window_bounds = array<i64: 1, 128>}, {transform_indices = @transform_7, window_bounds = array<i64: 1, 1024>}, {pipeline_mode = #tpu.pipeline_mode<synchronous>, transform_indices = @transform_8, window_bounds = array<i64: 128, 10>}, {pipeline_mode = #tpu.pipeline_mode<synchronous>, transform_indices = @transform_9, window_bounds = array<i64: 1, 10>}, {pipeline_mode = #tpu.pipeline_mode<synchronous>, transform_indices = @transform_10, window_bounds = array<i64: 64, 10>}]} {
    %get3A = arith.constant 0 : index
    %get3A_0 = arith.constant 0 : index
    %get3A_1 = vector.load %arg1[%get3A, %get3A_0] : memref<1024x128xf32, #tpu.memory_space<vmem>>, vector<1024x128xf32>
    %get3A_2 = arith.constant 0 : index
    %get3A_3 = arith.constant 0 : index
    %get3A_4 = vector.load %arg2[%get3A_2, %get3A_3] : memref<1024x128xf32, #tpu.memory_space<vmem>>, vector<1024x128xf32>
    %add3A = arith.addf %get3A_1, %get3A_4 : vector<1024x128xf32>
    %get3A_5 = arith.constant 0 : index
    %get3A_6 = arith.constant 0 : index
    %get3A_7 = vector.load %arg3[%get3A_5, %get3A_6] : memref<1024x128xf32, #tpu.memory_space<vmem>>, vector<1024x128xf32>
    %add3A_8 = arith.addf %add3A, %get3A_7 : vector<1024x128xf32>
    %get3A_9 = arith.constant 0 : index
    %get3A_10 = arith.constant 0 : index
    %get3A_11 = vector.load %arg4[%get3A_9, %get3A_10] : memref<128x128xf32, #tpu.memory_space<vmem>>, vector<128x128xf32>
    %dot_general3A = arith.constant dense<0.000000e+00> : vector<1024x128xf32>
    %dot_general3A_12 = tpu.matmul %add3A_8, %get3A_11, %dot_general3A {dimension_numbers = #tpu.dot_dimension_numbers<[1], [0], [0], [1], [0, 0, 1, 1], [], []>, transpose_lhs_hint = false} : vector<1024x128xf32>, vector<128x128xf32>, vector<1024x128xf32> -> vector<1024x128xf32>
    %get3A_13 = arith.constant 0 : index
    %get3A_14 = arith.constant 0 : index
    %get3A_15 = vector.load %arg5[%get3A_13, %get3A_14] : memref<1x128xf32, #tpu.memory_space<vmem>>, vector<1x128xf32>
    %add3A_16 = vector.broadcast %get3A_15 : vector<1x128xf32> to vector<1024x128xf32>
    %add3A_17 = arith.addf %dot_general3A_12, %add3A_16 : vector<1024x128xf32>
    %max3A = arith.constant 0.000000e+00 : f32
    %max3A_18 = vector.broadcast %max3A : f32 to vector<1024x128xf32>
    %max3A_19 = arith.maximumf %add3A_17, %max3A_18 : vector<1024x128xf32>
    %get3A_20 = arith.constant 0 : index
    %get3A_21 = arith.constant 0 : index
    %get3A_22 = vector.load %arg6[%get3A_20, %get3A_21] : memref<128x128xf32, #tpu.memory_space<vmem>>, vector<128x128xf32>
    %dot_general3A_23 = arith.constant dense<0.000000e+00> : vector<1024x128xf32>
    %dot_general3A_24 = tpu.matmul %max3A_19, %get3A_22, %dot_general3A_23 {dimension_numbers = #tpu.dot_dimension_numbers<[1], [0], [0], [1], [0, 0, 1, 1], [], []>, transpose_lhs_hint = false} : vector<1024x128xf32>, vector<128x128xf32>, vector<1024x128xf32> -> vector<1024x128xf32>
    %get3A_25 = arith.constant 0 : index
    %get3A_26 = arith.constant 0 : index
    %get3A_27 = vector.load %arg7[%get3A_25, %get3A_26] : memref<1x128xf32, #tpu.memory_space<vmem>>, vector<1x128xf32>
    %add3A_28 = vector.broadcast %get3A_27 : vector<1x128xf32> to vector<1024x128xf32>
    %add3A_29 = arith.addf %dot_general3A_24, %add3A_28 : vector<1024x128xf32>
    %max3A_30 = arith.constant 0.000000e+00 : f32
    %max3A_31 = vector.broadcast %max3A_30 : f32 to vector<1024x128xf32>
    %max3A_32 = arith.maximumf %add3A_29, %max3A_31 : vector<1024x128xf32>
    %iota3A = tpu.iota {dimensions = array<i32: 0>} : vector<64x1024xi32>
    %get3A_33 = arith.constant 0 : index
    %get3A_34 = arith.constant 0 : index
    %get3A_35 = vector.load %arg8[%get3A_33, %get3A_34] : memref<1x1024xi32, #tpu.memory_space<vmem>>, vector<1x1024xi32>
    %eq3A = vector.broadcast %get3A_35 : vector<1x1024xi32> to vector<64x1024xi32>
    %eq3A_36 = arith.cmpi eq, %iota3A, %eq3A : vector<64x1024xi32>
    %convert_element_type3A = arith.extui %eq3A_36 : vector<64x1024xi1> to vector<64x1024xi32>
    %convert_element_type3A_37 = arith.sitofp %convert_element_type3A : vector<64x1024xi32> to vector<64x1024xf32>
    %dot_general3A_38 = arith.constant dense<0.000000e+00> : vector<64x128xf32>
    %dot_general3A_39 = tpu.matmul %convert_element_type3A_37, %max3A_32, %dot_general3A_38 {dimension_numbers = #tpu.dot_dimension_numbers<[1], [0], [0], [1], [0, 0, 1, 1], [], []>, transpose_lhs_hint = false} : vector<64x1024xf32>, vector<1024x128xf32>, vector<64x128xf32> -> vector<64x128xf32>
    %eq3A_40 = arith.constant 0 : i32
    %eq3A_41 = arith.cmpi eq, %arg0, %eq3A_40 : i32
    %convert_element_type3A_42 = arith.extui %eq3A_41 : i1 to i32
    %cond3A = arith.constant 0 : i32
    %cond3A_43 = arith.cmpi ne, %convert_element_type3A_42, %cond3A : i32
    scf.if %cond3A_43 {
      %swap3A = arith.constant 0 : index
      %swap3A_53 = arith.constant 0 : index
      %swap3A_54 = vector.load %arg12[%swap3A, %swap3A_53] : memref<64x128xf32, #tpu.memory_space<vmem>>, vector<64x128xf32>
      tpu.vector_store %arg12[%swap3A, %swap3A_53], %dot_general3A_39 {strides = array<i32>} : memref<64x128xf32, #tpu.memory_space<vmem>>, vector<64x128xf32>,
    } else {
    }
    %gt3A = arith.constant 0 : i32
    %gt3A_44 = arith.cmpi sgt, %arg0, %gt3A : i32
    %convert_element_type3A_45 = arith.extui %gt3A_44 : i1 to i32
    %cond3A_46 = arith.constant 0 : i32
    %cond3A_47 = arith.cmpi ne, %convert_element_type3A_45, %cond3A_46 : i32
    scf.if %cond3A_47 {
      %get3A_53 = arith.constant 0 : index
      %get3A_54 = arith.constant 0 : index
      %get3A_55 = vector.load %arg12[%get3A_53, %get3A_54] : memref<64x128xf32, #tpu.memory_space<vmem>>, vector<64x128xf32>
      %add3A_56 = arith.addf %get3A_55, %dot_general3A_39 : vector<64x128xf32>
      %swap3A = arith.constant 0 : index
      %swap3A_57 = arith.constant 0 : index
      %swap3A_58 = vector.load %arg12[%swap3A, %swap3A_57] : memref<64x128xf32, #tpu.memory_space<vmem>>, vector<64x128xf32>
      tpu.vector_store %arg12[%swap3A, %swap3A_57], %add3A_56 {strides = array<i32>} : memref<64x128xf32, #tpu.memory_space<vmem>>, vector<64x128xf32>,
    } else {
    }
    %eq3A_48 = arith.constant 9 : i32
    %eq3A_49 = arith.cmpi eq, %arg0, %eq3A_48 : i32
    %convert_element_type3A_50 = arith.extui %eq3A_49 : i1 to i32
    %cond3A_51 = arith.constant 0 : i32
    %cond3A_52 = arith.cmpi ne, %convert_element_type3A_50, %cond3A_51 : i32
    scf.if %cond3A_52 {
      %get3A_53 = arith.constant 0 : index
      %get3A_54 = arith.constant 0 : index
      %get3A_55 = vector.load %arg12[%get3A_53, %get3A_54] : memref<64x128xf32, #tpu.memory_space<vmem>>, vector<64x128xf32>
      %get3A_56 = arith.constant 0 : index
      %get3A_57 = arith.constant 0 : index
      %get3A_58 = vector.load %arg9[%get3A_56, %get3A_57] : memref<128x10xf32, #tpu.memory_space<vmem>>, vector<128x10xf32>
      %dot_general3A_59 = arith.constant dense<0.000000e+00> : vector<64x10xf32>
      %dot_general3A_60 = tpu.matmul %get3A_55, %get3A_58, %dot_general3A_59 {dimension_numbers = #tpu.dot_dimension_numbers<[1], [0], [0], [1], [0, 0, 1, 1], [], []>, transpose_lhs_hint = false} : vector<64x128xf32>, vector<128x10xf32>, vector<64x10xf32> -> vector<64x10xf32>
      %get3A_61 = arith.constant 0 : index
      %get3A_62 = arith.constant 0 : index
      %get3A_63 = vector.load %arg10[%get3A_61, %get3A_62] : memref<1x10xf32, #tpu.memory_space<vmem>>, vector<1x10xf32>
      %add3A_64 = vector.broadcast %get3A_63 : vector<1x10xf32> to vector<64x10xf32>
      %add3A_65 = arith.addf %dot_general3A_60, %add3A_64 : vector<64x10xf32>
      %reduce_max3A = arith.constant dense<0xFF800000> : vector<64xf32>
      %reduce_max3A_66 = vector.multi_reduction <maximumf>, %add3A_65, %reduce_max3A [1] : vector<64x10xf32> to vector<64xf32>
      %broadcast_in_dim3A = vector.shape_cast %reduce_max3A_66 : vector<64xf32> to vector<64x1xf32>
      %sub3A = vector.broadcast %broadcast_in_dim3A : vector<64x1xf32> to vector<64x10xf32>
      %sub3A_67 = arith.subf %add3A_65, %sub3A : vector<64x10xf32>
      %exp3A = math.exp %sub3A_67 : vector<64x10xf32>
      %reduce_sum3A = arith.constant dense<0.000000e+00> : vector<64xf32>
      %reduce_sum3A_68 = vector.multi_reduction <add>, %exp3A, %reduce_sum3A [1] : vector<64x10xf32> to vector<64xf32>
      %broadcast_in_dim3A_69 = vector.shape_cast %reduce_sum3A_68 : vector<64xf32> to vector<64x1xf32>
      %log3A = math.log %broadcast_in_dim3A_69 : vector<64x1xf32>
      %sub3A_70 = vector.broadcast %log3A : vector<64x1xf32> to vector<64x10xf32>
      %sub3A_71 = arith.subf %sub3A_67, %sub3A_70 : vector<64x10xf32>
      %swap3A = arith.constant 0 : index
      %swap3A_72 = arith.constant 0 : index
      %swap3A_73 = vector.load %arg11[%swap3A, %swap3A_72] : memref<64x10xf32, #tpu.memory_space<vmem>>, vector<64x10xf32>
      tpu.vector_store %arg11[%swap3A, %swap3A_72], %sub3A_71 {strides = array<i32>} : memref<64x10xf32, #tpu.memory_space<vmem>>, vector<64x10xf32>,
    } else {
    }
    return
  }
  func.func @transform_0(%arg0: i32) -> (i32, i32) {
    %c0_i32 = arith.constant 0 : i32
    %c0_i32_0 = arith.constant 0 : i32
    return %arg0, %c0_i32 : i32, i32
  }
  func.func @transform_1(%arg0: i32) -> (i32, i32) {
    %c0_i32 = arith.constant 0 : i32
    %c0_i32_0 = arith.constant 0 : i32
    return %arg0, %c0_i32 : i32, i32
  }
  func.func @transform_2(%arg0: i32) -> (i32, i32) {
    %c0_i32 = arith.constant 0 : i32
    %c0_i32_0 = arith.constant 0 : i32
    return %arg0, %c0_i32 : i32, i32
  }
  func.func @transform_3(%arg0: i32) -> (i32, i32) {
    %c0_i32 = arith.constant 0 : i32
    %c0_i32_0 = arith.constant 0 : i32
    %c0_i32_1 = arith.constant 0 : i32
    return %c0_i32, %c0_i32_0 : i32, i32
  }
  func.func @transform_4(%arg0: i32) -> (i32, i32) {
    %c0_i32 = arith.constant 0 : i32
    %c0_i32_0 = arith.constant 0 : i32
    %c0_i32_1 = arith.constant 0 : i32
    return %c0_i32, %c0_i32_0 : i32, i32
  }
  func.func @transform_5(%arg0: i32) -> (i32, i32) {
    %c0_i32 = arith.constant 0 : i32
    %c0_i32_0 = arith.constant 0 : i32
    %c0_i32_1 = arith.constant 0 : i32
    return %c0_i32, %c0_i32_0 : i32, i32
  }
  func.func @transform_6(%arg0: i32) -> (i32, i32) {
    %c0_i32 = arith.constant 0 : i32
    %c0_i32_0 = arith.constant 0 : i32
    %c0_i32_1 = arith.constant 0 : i32
    return %c0_i32, %c0_i32_0 : i32, i32
  }
  func.func @transform_7(%arg0: i32) -> (i32, i32) {
    %c0_i32 = arith.constant 0 : i32
    %c0_i32_0 = arith.constant 0 : i32
    return %c0_i32, %arg0 : i32, i32
  }
  func.func @transform_8(%arg0: i32) -> (i32, i32) {
    %c0_i32 = arith.constant 0 : i32
    %c0_i32_0 = arith.constant 0 : i32
    %c0_i32_1 = arith.constant 0 : i32
    return %c0_i32, %c0_i32_0 : i32, i32
  }
  func.func @transform_9(%arg0: i32) -> (i32, i32) {
    %c0_i32 = arith.constant 0 : i32
    %c0_i32_0 = arith.constant 0 : i32
    %c0_i32_1 = arith.constant 0 : i32
    return %c0_i32, %c0_i32_0 : i32, i32
  }
  func.func @transform_10(%arg0: i32) -> (i32, i32) {
    %c0_i32 = arith.constant 0 : i32
    %c0_i32_0 = arith.constant 0 : i32
    %c0_i32_1 = arith.constant 0 : i32
    return %c0_i32, %c0_i32_0 : i32, i32
  }
}

</mosaic_0001>

<sc_bundles>
// kernel: kernel.6.cloned.1.call-start
scs
__scs_entry_jumppad:
0x0: {  	(pc) =	sbr.rel $0x88, $3  }
0x1: {  	(tag) =	ssettag $0x0;
	lr =	simm.s32 $0x1  }
0x2: {  	[smem:$0x3F94] =	sst lr;
	_ =	strace $0xD0000000  }
0x3: {  	_ = 	snop  }
0x4: {  	_ = 	snop  }
0x5: {  	_ = 	snop  }
0x6: {  	_ = 	snop  }
0x7: {  	_ = 	snop  }
__scs_overlays_trampoline_lowered:
0x8: {  	[smem:$0x3FA3] =	sst s0  }
0x9: {  	[smem:$0x3FA4] =	sst s1  }
0xa: {  	[smem:$0x3FA5] =	sst s2  }
0xb: {  	[smem:$0x3FA6] =	sst s3  }
0xc: {  	[smem:$0x3FA7] =	sst s4  }
0xd: {  	[smem:$0x3FA8] =	sst s5  }
0xe: {  	[smem:$0x3FA9] =	sst s6  }
0xf: {  	[smem:$0x3FAA] =	sst s7  }
0x10: {  	[smem:$0x3FAB] =	sst s8  }
0x11: {  	[smem:$0x3FAC] =	sst s9;
	s0 =	simm.s32 @!p0 $0x0  }
0x12: {  	s1 =	sld [smem:$0x3F92];
	s0 =	simm.s32 @p0 $0x1  }
0x13: {  	[smem:$0x3FAD] =	sst s0;
	s0 =	simm.s32 @!p1 $0x0  }
0x14: {  	s2 =	sld [smem:$0x3F91];
	s0 =	simm.s32 @p1 $0x1  }
0x15: {  	[smem:$0x3FAE] =	sst s0;
	s0 =	simm.s32 @!p2 $0x0  }
0x16: {  	s3 =	sld [smem:$0x3FDB];
	s0 =	simm.s32 @p2 $0x1  }
0x17: {  	s4 =	simm.s32 $0x1BF5;
	[smem:$0x3FB0] =	sst s0  }
0x18: {  	s0 =	sld [smem:$0x3F93];
	_ =	swait.ge [sflag:s4], $0x0  }
0x19: {  	s7 =	sld [smem:$0x3F94]  }
0x1a: {  	s8 =	sadd.s32 $0xFFFFE003, lr  }
0x1b: {  	s9 =	sadd.s32 $0xFFFFFEF7, lr;
	s5 =	simm.s32 $0xFFFFFFFF;
	p2 =	slt.u32 s8, $0xFFFFF086  }
0x1c: {  	p1 =	slt.u32 s9, $0xF7A;
	s5 =	simm.s32 @!p2 $0x0  }
0x1d: {  	s5 =	simm.s32 @p1 $0x1;
	p0 =	seq.s32 s7, s2  }
0x1e: {  	s7 =	smul.u32 @!p0 $0xF7A, s2;
	p2 =	seq.s32 @!p0 s5, $0x0  }
0x1f: {  	s9 =	smul.u32 $0xF7A, s1;
	s8 =	simm.s32 @!p0 $0x1BF5;
	p2 =	por !p2, p0  }
0x20: {  	[sflag:s8] =	ssyncset.s32 @!p0 $0xFFFFF086;
	s6 =	sadd.s32 @!p0 s3, s7;
	s7 =	simm.s32 @!p0 $0x108  }
0x21: {  	s3 =	sadd.s32 s3, s9;
	s6 =	sadd.s32 @!p0 $0x88, s6;
	s7 =	simm.s32 @p2 $0x1082  }
0x22: {  	[simem:s7], [sflag:s8] =	dma.local @!p0 [hbm:s6], $0xF7A  }
0x23: {  	s9 =	sor.u32 $0xD0000000, s2;
	s6 =	simm.s32 $0x108;
	_ =	swait.ge @!p0 [sflag:s8], $0x0  }
0x24: {  	s3 =	sadd.s32 $0x88, s3;
	s6 =	simm.s32 @!p1 $0x1082;
	[sflag:s4] =	ssyncset.s32 $0xFFFFF086  }
0x25: {  	[simem:s6], [sflag:s4] =	dma.local [hbm:s3], $0xF7A  }
0x26: {  	[smem:$0x3F94] =	sst s1;
	(tag) =	ssettag s2;
	_ =	strace s9  }
0x27: {  	s1 =	sld [smem:$0x3FA4]  }
0x28: {  	s2 =	sld [smem:$0x3FA5]  }
0x29: {  	s4 =	sld [smem:$0x3FA7]  }
0x2a: {  	p0 =	seq.s32 s5, $0x0;
	s5 =	sld [smem:$0x3FA8]  }
0x2b: {  	s6 =	sld [smem:$0x3FA9]  }
0x2c: {  	s7 =	sld [smem:$0x3FAA]  }
0x2d: {  	s3 =	simm.s32 $0x108;
	s8 =	sld [smem:$0x3FAB]  }
0x2e: {  	s3 =	simm.s32 @!p0 $0x1082;
	s9 =	sld [smem:$0x3FAC]  }
0x2f: {  	lr =	sadd.s32 s0, s3;
	s0 =	sld [smem:$0x3FA3]  }
0x30: {  	s3 =	sld [smem:$0x3FA6]  }
0x31: {  	[smem:$0x3FAF] =	sst s10  }
0x32: {  	s10 =	sld [smem:$0x3FAD];
	_ =	sdelay $0x3  }
0x33: {  	p0 =	seq.s32 s10, $0x1;
	s10 =	sld [smem:$0x3FAF];
	_ =	sdelay $0x3  }
0x34: {  	[smem:$0x3FAF] =	sst s10  }
0x35: {  	s10 =	sld [smem:$0x3FAE];
	_ =	sdelay $0x3  }
0x36: {  	p1 =	seq.s32 s10, $0x1;
	s10 =	sld [smem:$0x3FAF];
	_ =	sdelay $0x3  }
0x37: {  	[smem:$0x3FAF] =	sst s10  }
0x38: {  	s10 =	sld [smem:$0x3FB0]  }
0x39: {  	_ = 	snop;
	(pc) =	sbr.ind lr, $3  }
0x3a: {  	_ = 	snop  }
0x3b: {  	_ = 	snop  }
0x3c: {  	p2 =	seq.s32 s10, $0x1;
	s10 =	sld [smem:$0x3FAF]  }
0x3d: {  	_ =	shalt  }
0x3e: {  	_ =	shalt  }
0x3f: {  	_ =	shalt  }
0x40: {  	_ =	shalt  }
0x41: {  	_ =	shalt  }
0x42: {  	_ =	shalt  }
0x43: {  	_ =	shalt  }
0x44: {  	_ =	shalt  }
0x45: {  	_ =	shalt  }
0x46: {  	_ =	shalt  }
0x47: {  	_ =	shalt  }
0x48: {  	_ =	shalt  }
0x49: {  	_ =	shalt  }
0x4a: {  	_ =	shalt  }
0x4b: {  	_ =	shalt  }
0x4c: {  	_ =	shalt  }
0x4d: {  	_ =	shalt  }
0x4e: {  	_ =	shalt  }
0x4f: {  	_ =	shalt  }
0x50: {  	_ =	shalt  }
0x51: {  	_ =	shalt  }
0x52: {  	_ =	shalt  }
0x53: {  	_ =	shalt  }
0x54: {  	_ =	shalt  }
0x55: {  	_ =	shalt  }
0x56: {  	_ =	shalt  }
0x57: {  	_ =	shalt  }
0x58: {  	_ =	shalt  }
0x59: {  	_ =	shalt  }
0x5a: {  	_ =	shalt  }
0x5b: {  	_ =	shalt  }
0x5c: {  	_ =	shalt  }
0x5d: {  	_ =	shalt  }
0x5e: {  	_ =	shalt  }
0x5f: {  	_ =	shalt  }
0x60: {  	_ =	shalt  }
0x61: {  	_ =	shalt  }
0x62: {  	_ =	shalt  }
0x63: {  	_ =	shalt  }
0x64: {  	_ =	shalt  }
0x65: {  	_ =	shalt  }
0x66: {  	_ =	shalt  }
0x67: {  	_ =	shalt  }
0x68: {  	_ =	shalt  }
0x69: {  	_ =	shalt  }
0x6a: {  	_ =	shalt  }
0x6b: {  	_ =	shalt  }
0x6c: {  	_ =	shalt  }
0x6d: {  	_ =	shalt  }
0x6e: {  	_ =	shalt  }
0x6f: {  	_ =	shalt  }
0x70: {  	_ =	shalt  }
0x71: {  	_ =	shalt  }
0x72: {  	_ =	shalt  }
0x73: {  	_ =	shalt  }
0x74: {  	_ =	shalt  }
0x75: {  	_ =	shalt  }
0x76: {  	_ =	shalt  }
0x77: {  	_ =	shalt  }
0x78: {  	_ =	shalt  }
0x79: {  	_ =	shalt  }
0x7a: {  	_ =	shalt  }
0x7b: {  	_ =	shalt  }
0x7c: {  	_ =	shalt  }
0x7d: {  	_ =	shalt  }
0x7e: {  	_ =	shalt  }
0x7f: {  	_ =	shalt  }
0x80: {  	_ =	shalt  }
0x81: {  	_ =	shalt  }
0x82: {  	_ =	shalt  }
0x83: {  	_ =	shalt  }
0x84: {  	_ =	shalt  }
0x85: {  	_ =	shalt  }
0x86: {  	_ =	shalt  }
0x87: {  	_ =	shalt  }
.Lfunc_end0:
.L_simem_size_0:
called_computation_lowered:
.L_overlay_start_0:
0x88: {  	s2 =	sld [smem:$0x3FD9]  }
0x89: {  	s3 =	sld [smem:$0x3FFE];
	_ =	sdelay $0x1  }
0x8a: {  	s1 =	srdreg.scid  }
0x8b: {  	s0 =	sand.u32 $0x1, s1  }
0x8c: {  	s16 =	sshll.u32 s0, $0xA;
	s2 =	sadd.s32 s3, s2  }
0x8d: {  	s2 =	sadd.s32 s2, s16  }
0x8e: {  	[smem:$0x3FBB] =	sst s2  }
0x8f: {  	_ = 	snop  }
0x90: {  	(tm) =	ssettm $0x1  }
0x91: {  	s17 =	sld [smem:$0x3FFB];
	_ =	sdelay $0x3  }
0x92: {  	_ =	strace s17  }
0x93: {  	s2 =	sld [smem:$0x3FFC];
	_ =	sdelay $0x3  }
0x94: {  	_ =	strace s2  }
0x95: {  	s2 =	sld [smem:$0x3FFD];
	_ =	sdelay $0x3  }
0x96: {  	_ =	strace s2  }
0x97: {  	_ =	strace $0x8FFFFFFF  }
0x98: {  	s18 =	sld [smem:$0x3FDB];
	_ =	sdelay $0x1  }
0x99: {  	s19 =	simm.s32 $_scs_section_size  }
0x9a: {  	s4 =	simm.s32 $_size__tile_overlayer_lowered;
	s5 =	simm.s32 $_tile_overlayer_lowered  }
0x9b: {  	s22 =	simm.s32 $0x1BFF;
	s21 =	sshll.u32 s5, $0x1;
	s2 =	sadd.s32 s19, s18  }
0x9c: {  	s6 =	simm.s32 $0x0;
	s20 =	sshll.u32 s4, $0x1;
	s4 =	sadd.s32 s21, s2  }
0x9d: {  	[timem:s6], [sflag:s22] =	dma.local [hbm:s4], s20  }
0x9e: {  	_ =	swait.ge [sflag:s22], s20  }
0x9f: {  	s3 =	ssub.s32 $0x0, s20;
	[sflag:s22] =	ssyncset.done $0x0  }
0xa0: {  	[sflag:s22] =	ssyncadd.s32 s3;
	_ =	sdelay $0x1  }
0xa1: {  	s23 =	simm.s32 $0x1B8B  }
0xa2: {  	_ =	swait.ge [sflag:s23], $0x1  }
0xa3: {  	[sflag:s23] =	ssyncset.done $0x0  }
0xa4: {  	s25 =	simm.s32 $0x1B8E;
	s24 =	sld [smem:$0x3FFE];
	[sflag:s23] =	ssyncadd.s32 $0xFFFFFFFF  }
0xa5: {  	s26 =	simm.s32 $execute0_lowered;
	[smem:$0x3FD2] =	sst s25  }
0xa6: {  	s4 =	sshll.u32 s26, $0x1;
	_ =	strace $0x80000046;
	[dreg:$0x1] =	wrdreg $0xFFFFFFFF  }
0xa7: {  	s28 =	simm.s32 $_size_execute0_lowered;
	s2 =	sadd.s32 s2, s4;
	[dreg:$0x0] =	wrdreg $0x0  }
0xa8: {  	s4 =	sshll.u32 s28, $0x1;
	[dreg:$0x2] =	wrdreg s2  }
0xa9: {  	[dreg:$0x3] =	wrdreg s4  }
0xaa: {  	[dreg:$0x4] =	wrdreg $0xC0  }
0xab: {  	_ =	task [dreg:s6], $0x5FFFF  }
0xac: {  	[dreg:$0x1] =	wrdreg $0xFFFFFFFF  }
0xad: {  	[dreg:$0x0] =	wrdreg $0x60  }
0xae: {  	[dreg:$0x2] =	wrdreg s24  }
0xaf: {  	[dreg:$0x3] =	wrdreg $0xA8000  }
0xb0: {  	[dreg:$0x4] =	wrdreg $0x9  }
0xb1: {  	_ =	task.clear_ibuf [dreg:s6], $0x5FFFF;
	_ =	strace $0x90000046  }
0xb2: {  	s29 =	simm.s32 $0x9;
	_ =	strace $0x80000048  }
0xb3: {  	_ =	swait.ge [sflag:s29], $0x1  }
0xb4: {  	[sflag:s29] =	ssyncadd.s32 $0xFFFFFFFF  }
0xb5: {  	_ =	strace $0x90000048  }
0xb6: {  	_ =	sfence  }
0xb7: {  	s30 =	sld [smem:$0x0];
	_ =	sdelay $0x2  }
0xb8: {  	s31 =	sshll.u32 s1, $0xD;
	s1 =	sshrl.u32 s1, $0x2  }
0xb9: {  	s3 =	sand.u32 $0x4000, s31;
	s1 =	sadd.s32 s1, s30  }
0xba: {  	s0 =	sor.u32 s3, s0;
	s1 =	sshll.u32 s1, $0x11  }
0xbb: {  	s0 =	sor.u32 s1, s0  }
0xbc: {  	s0 =	sadd.s32 $0x8F2B, s0  }
0xbd: {  	[sflag:s0] =	ssyncadd.remote.s32 $0x1  }
0xbe: {  	_ =	sfence.sel $0xFFFF  }
0xbf: {  	[dreg:$0x0] =	wrdreg $0xFFFFFFFF;
	(pc) =	sbr.abs _section_cstart, $3  }
0xc0: {  	[dreg:$0x1] =	wrdreg $0xFFFFFFFF  }
0xc1: {  	_ =	task.clear_ibuf [dreg:s6], $0x2FFFF;
	_ =	strace $0x9FFFFFFF  }
0xc2: {  	(tm) =	ssettm $0x7FFFFFFF  }
0xc3: {  	_ =	shalt  }
tec
execute0_lowered:
.L_overlay_start_1:
0x0: {  	(tag) =	ssettag $0x1  }
0x1: {  	s6 =	rddreg [dreg:$0x0]  }
0x2: {  	s1 =	rddreg [dreg:$0x1]  }
0x3: {  	s0 =	rddreg [dreg:$0x2]  }
0x4: {  	s3 =	simm.s32 $0x0;
	s2 =	srdreg.scid;
	s13 =	simm.s32 $0x4000  }
0x5: {  	s14 =	simm.s32 $0x50;
	s15 =	simm.s32 $0x8000;
	s16 =	simm.s32 $0x1  }
0x6: {  	s17 =	simm.s32 $0x0;
	[smem:$0x7FF] =	sst s3;
	s7 =	sand.u32 $0x1, s2  }
0x7: {  	s2 =	stileid.u32;
	s4 =	sadd.s32 $0x23600, s6;
	s5 =	smul.u32 $0x140000, s7  }
0x8: {  	s8 =	sshll.u32 s2, $0xC;
	s9 =	sshll.u32 s7, $0xB;
	s10 =	smul.u32 $0x14000, s2  }
0x9: {  	_ =	strace $0x80000047;
	s29 =	smul.u32 $0x50000, s2;
	s7 =	ssub.s32 $0x2, s7  }
0xa: {  	s31 =	sshll.u32 s2, $0x6;
	s8 =	sor.u32 s9, s8;
	s30 =	sshrl.u32 s7, $0x1  }
0xb: {  	s8 =	sadd.s32 s8, s6;
	s28 =	sadd.s32 s10, s5;
	s5 =	sadd.s32 $0x4B600, s6  }
0xc: {  	s10 =	sshrl.u32 s29, $0x2;
	s11 =	ssub.s32 s7, s30;
	s9 =	sshrl.u32 s28, $0x3  }
0xd: {  	s12 =	sadd.s32 s10, s1;
	s7 =	sadd.s32 $0x3600, s8;
	s8 =	sadd.s32 $0x13600, s8  }
0xe: {  	s10 =	smax.u32 s11, $0x1;
	s9 =	sadd.s32 s9, s6;
	s6 =	sor.u32 $0x1C02, s31  }
0xf: {  	s11 =	sshrl.u32 s12, $0x3;
	s12 =	simm.s32 $0x2;
	s9 =	sadd.s32 $0x4DE00, s9  }
.LBB2_1:
0x10: {  	[spmem:s11], [sflag:s6] =	dma.local [hbm:s5], $0x2800  }
0x11: {  	_ =	swait.ge [sflag:s12], $0x2800  }
0x12: {  	[sflag:s12] =	ssyncset.done $0x0  }
0x13: {  	[sflag:s12] =	ssyncadd.s32 $0xFFFFD800  }
0x14: {  	[tilespmem:s3], [sflag:$0x2] =	stream.linear.gather [hbm4b:s7+s3], $0x3E80, $0x38;
	[tilespmem:$0x1E800] =	vst v63  }
0x15: {  	_ =	swait.ge [sflag:s12], $0x3E80  }
0x16: {  	[sflag:s12] =	ssyncset.done $0x0  }
0x17: {  	[sflag:s12] =	ssyncadd.s32 $0xFFFFC180  }
0x18: {  	[tilespmem:s13], [sflag:$0x2] =	stream.linear.gather [hbm4b:s8+s3], $0x3E80, $0x38;
	[tilespmem:$0x1E800] =	vst v63  }
0x19: {  	_ =	swait.ge [sflag:s12], $0x3E80  }
0x1a: {  	[sflag:s12] =	ssyncset.done $0x0  }
0x1b: {  	[sflag:s12] =	ssyncadd.s32 $0xFFFFC180  }
0x1c: {  	s18 =	simm.s32 $0x0;
	[bflag:$0x0] =	sbarrier.arrive $0xFFFF  }
0x1d: {  	[tilespmem:s15], [sflag:$0x1] =	stream.indirect.gather [hbm4b:s4+s14], $0x80, s18, s14, $0xb8;
	[tilespmem:$0x1E800] =	vst v63  }
0x1e: {  	_ =	swait.ge [sflag:s16], $0x2800  }
0x1f: {  	[sflag:s16] =	ssyncset.done $0x0  }
0x20: {  	s31 =	simm.s32 $0x4000;
	[sflag:s16] =	ssyncadd.s32 $0xFFFFD800  }
0x21: {  	[spmem:s1] =	stream.indirect.scatter.add.f32 [tilespmem:s15], [sflag:$0x2], $0x80, s31, s14, $0xb8;
	[tilespmem:$0x1E800] =	vst v63  }
0x22: {  	_ =	swait.ge [sflag:s12], $0x2800  }
0x23: {  	s19 =	simm.s32 $0x400;
	s18 =	simm.s32 $0x200;
	[sflag:s12] =	ssyncset.done $0x0  }
.LBB2_2:
0x24: {  	s20 =	sshra.s32 s18, $0x2  }
0x25: {  	[sflag:s12] =	ssyncadd.s32 $0xFFFFD800;
	s18 =	smov.u32 s19;
	s21 =	sadd.s32 $0x200, s19  }
0x26: {  	[tilespmem:s15], [sflag:$0x1] =	stream.indirect.gather [hbm4b:s4+s14], $0x80, s20, s14, $0xb8;
	[tilespmem:$0x1E800] =	vst v63  }
0x27: {  	p0 =	sne.s32 s19, $0xF800;
	_ =	swait.ge [sflag:s16], $0x2800  }
.Ltmp0:
0x28: {  	[sflag:s16] =	ssyncset.done $0x0;
	(pc) =	sbr.rel @p0 .LBB2_2-.Ltmp0, $4  }
0x29: {  	s19 =	sadd.s32 $0x4000, s20;
	[sflag:s16] =	ssyncadd.s32 $0xFFFFD800  }
0x2a: {  	[spmem:s1] =	stream.indirect.scatter.add.f32 [tilespmem:s15], [sflag:$0x2], $0x80, s19, s14, $0xb8;
	[tilespmem:$0x1E800] =	vst v63  }
0x2b: {  	_ =	swait.ge [sflag:s12], $0x2800  }
0x2c: {  	s19 =	smov.u32 s21;
	[sflag:s12] =	ssyncset.done $0x0  }
0x2d: {  	s18 =	sshra.s32 s18, $0x2;
	[sflag:s12] =	ssyncadd.s32 $0xFFFFD800  }
0x2e: {  	[tilespmem:s15], [sflag:$0x1] =	stream.indirect.gather [hbm4b:s4+s14], $0x80, s18, s14, $0xb8;
	[tilespmem:$0x1E800] =	vst v63  }
0x2f: {  	_ =	swait.ge [sflag:s16], $0x2800  }
0x30: {  	[sflag:s16] =	ssyncset.done $0x0  }
0x31: {  	s18 =	sadd.s32 $0x4000, s18;
	[sflag:s16] =	ssyncadd.s32 $0xFFFFD800  }
0x32: {  	[spmem:s1] =	stream.indirect.scatter.add.f32 [tilespmem:s15], [sflag:$0x2], $0x80, s18, s14, $0xb8;
	[tilespmem:$0x1E800] =	vst v63  }
0x33: {  	_ =	swait.ge [sflag:s12], $0x2800  }
0x34: {  	s17 =	sadd.s32 $0x1, s17;
	[sflag:s12] =	ssyncset.done $0x0  }
0x35: {  	p0 =	sne.s32 s17, s10;
	[sflag:s12] =	ssyncadd.s32 $0xFFFFD800  }
.Ltmp1:
0x36: {  	[bflag:$0x0] =	sbarrier.arrive $0xFFFF;
	(pc) =	sbr.rel @p0 .LBB2_1-.Ltmp1, $4  }
0x37: {  	[hbm:s9], [sflag:s6] =	dma.local [spmem:s11], $0x2800  }
0x38: {  	_ =	swait.ge [sflag:s12], $0x2800  }
0x39: {  	[sflag:s12] =	ssyncset.done $0x0  }
0x3a: {  	[sflag:s12] =	ssyncadd.s32 $0xFFFFD800  }
0x3b: {  	_ =	sfence.sel $0x180000  }
0x3c: {  	[bflag:$0x0] =	sbarrier.arrive $0xFFFF  }
0x3d: {  	p0 =	sne.s32 s2, $0x0;
	_ =	strace $0x90000047  }
0x3e: {  	s0 =	sadd.s32 @!p0 $0x100000, s0;
	[bflag:$0x2] =	sbarrier.arrive $0xFFFF  }
0x3f: {  	[sflag:s0] =	ssyncadd.tile.s32 @!p0 $0x1;
	_ =	shalt  }
.Lfunc_end2:
_tile_overlayer_lowered:
.L_overlay_start_2:
0x40: {  	(tag) =	ssettag $0x2  }
0x41: {  	s0 =	rddreg [dreg:$0x0];
	s2 =	stileid.u32  }
0x42: {  	s1 =	rddreg [dreg:$0x1];
	p0 =	sne.s32 s2, $0x0  }
0x43: {  	s3 =	rddreg [dreg:$0x2];
	[bflag:$0x3] =	sbarrier.arrive $0xFFFF;
	s2 =	simm.s32 @!p0 $0x1C02  }
0x44: {  	[timem:s3], [sflag:s2] =	dma.local @!p0 [hbm:s0], s1  }
0x45: {  	s0 =	simm.s32 @!p0 $0x2  }
0x46: {  	_ =	swait.ge @!p0 [sflag:s0], s1  }
0x47: {  	s1 =	ssub.s32 @!p0 $0x0, s1;
	[sflag:s0] =	ssyncset.done @!p0 $0x0  }
0x48: {  	[sflag:s0] =	ssyncadd.s32 @!p0 s1  }
0x49: {  	[bflag:$0x3] =	sbarrier.arrive $0xFFFF  }
0x4a: {  	_ =	shalt  }

// kernel: kernel.9.cloned.1.call-start
scs
__scs_entry_jumppad:
0x0: {  	(pc) =	sbr.rel $0x88, $3  }
0x1: {  	(tag) =	ssettag $0x0;
	lr =	simm.s32 $0x1  }
0x2: {  	[smem:$0x3F94] =	sst lr;
	_ =	strace $0xD0000000  }
0x3: {  	_ = 	snop  }
0x4: {  	_ = 	snop  }
0x5: {  	_ = 	snop  }
0x6: {  	_ = 	snop  }
0x7: {  	_ = 	snop  }
__scs_overlays_trampoline_lowered:
0x8: {  	[smem:$0x3FA3] =	sst s0  }
0x9: {  	[smem:$0x3FA4] =	sst s1  }
0xa: {  	[smem:$0x3FA5] =	sst s2  }
0xb: {  	[smem:$0x3FA6] =	sst s3  }
0xc: {  	[smem:$0x3FA7] =	sst s4  }
0xd: {  	[smem:$0x3FA8] =	sst s5  }
0xe: {  	[smem:$0x3FA9] =	sst s6  }
0xf: {  	[smem:$0x3FAA] =	sst s7  }
0x10: {  	[smem:$0x3FAB] =	sst s8  }
0x11: {  	[smem:$0x3FAC] =	sst s9;
	s0 =	simm.s32 @!p0 $0x0  }
0x12: {  	s1 =	sld [smem:$0x3F92];
	s0 =	simm.s32 @p0 $0x1  }
0x13: {  	[smem:$0x3FAD] =	sst s0;
	s0 =	simm.s32 @!p1 $0x0  }
0x14: {  	s2 =	sld [smem:$0x3F91];
	s0 =	simm.s32 @p1 $0x1  }
0x15: {  	[smem:$0x3FAE] =	sst s0;
	s0 =	simm.s32 @!p2 $0x0  }
0x16: {  	s3 =	sld [smem:$0x3FDB];
	s0 =	simm.s32 @p2 $0x1  }
0x17: {  	s4 =	simm.s32 $0x1BF5;
	[smem:$0x3FB0] =	sst s0  }
0x18: {  	s0 =	sld [smem:$0x3F93];
	_ =	swait.ge [sflag:s4], $0x0  }
0x19: {  	s7 =	sld [smem:$0x3F94]  }
0x1a: {  	s8 =	sadd.s32 $0xFFFFE003, lr  }
0x1b: {  	s9 =	sadd.s32 $0xFFFFFEF7, lr;
	s5 =	simm.s32 $0xFFFFFFFF;
	p2 =	slt.u32 s8, $0xFFFFF086  }
0x1c: {  	p1 =	slt.u32 s9, $0xF7A;
	s5 =	simm.s32 @!p2 $0x0  }
0x1d: {  	s5 =	simm.s32 @p1 $0x1;
	p0 =	seq.s32 s7, s2  }
0x1e: {  	s7 =	smul.u32 @!p0 $0xF7A, s2;
	p2 =	seq.s32 @!p0 s5, $0x0  }
0x1f: {  	s9 =	smul.u32 $0xF7A, s1;
	s8 =	simm.s32 @!p0 $0x1BF5;
	p2 =	por !p2, p0  }
0x20: {  	[sflag:s8] =	ssyncset.s32 @!p0 $0xFFFFF086;
	s6 =	sadd.s32 @!p0 s3, s7;
	s7 =	simm.s32 @!p0 $0x108  }
0x21: {  	s3 =	sadd.s32 s3, s9;
	s6 =	sadd.s32 @!p0 $0x88, s6;
	s7 =	simm.s32 @p2 $0x1082  }
0x22: {  	[simem:s7], [sflag:s8] =	dma.local @!p0 [hbm:s6], $0xF7A  }
0x23: {  	s9 =	sor.u32 $0xD0000000, s2;
	s6 =	simm.s32 $0x108;
	_ =	swait.ge @!p0 [sflag:s8], $0x0  }
0x24: {  	s3 =	sadd.s32 $0x88, s3;
	s6 =	simm.s32 @!p1 $0x1082;
	[sflag:s4] =	ssyncset.s32 $0xFFFFF086  }
0x25: {  	[simem:s6], [sflag:s4] =	dma.local [hbm:s3], $0xF7A  }
0x26: {  	[smem:$0x3F94] =	sst s1;
	(tag) =	ssettag s2;
	_ =	strace s9  }
0x27: {  	s1 =	sld [smem:$0x3FA4]  }
0x28: {  	s2 =	sld [smem:$0x3FA5]  }
0x29: {  	s4 =	sld [smem:$0x3FA7]  }
0x2a: {  	p0 =	seq.s32 s5, $0x0;
	s5 =	sld [smem:$0x3FA8]  }
0x2b: {  	s6 =	sld [smem:$0x3FA9]  }
0x2c: {  	s7 =	sld [smem:$0x3FAA]  }
0x2d: {  	s3 =	simm.s32 $0x108;
	s8 =	sld [smem:$0x3FAB]  }
0x2e: {  	s3 =	simm.s32 @!p0 $0x1082;
	s9 =	sld [smem:$0x3FAC]  }
0x2f: {  	lr =	sadd.s32 s0, s3;
	s0 =	sld [smem:$0x3FA3]  }
0x30: {  	s3 =	sld [smem:$0x3FA6]  }
0x31: {  	[smem:$0x3FAF] =	sst s10  }
0x32: {  	s10 =	sld [smem:$0x3FAD];
	_ =	sdelay $0x3  }
0x33: {  	p0 =	seq.s32 s10, $0x1;
	s10 =	sld [smem:$0x3FAF];
	_ =	sdelay $0x3  }
0x34: {  	[smem:$0x3FAF] =	sst s10  }
0x35: {  	s10 =	sld [smem:$0x3FAE];
	_ =	sdelay $0x3  }
0x36: {  	p1 =	seq.s32 s10, $0x1;
	s10 =	sld [smem:$0x3FAF];
	_ =	sdelay $0x3  }
0x37: {  	[smem:$0x3FAF] =	sst s10  }
0x38: {  	s10 =	sld [smem:$0x3FB0]  }
0x39: {  	_ = 	snop;
	(pc) =	sbr.ind lr, $3  }
0x3a: {  	_ = 	snop  }
0x3b: {  	_ = 	snop  }
0x3c: {  	p2 =	seq.s32 s10, $0x1;
	s10 =	sld [smem:$0x3FAF]  }
0x3d: {  	_ =	shalt  }
0x3e: {  	_ =	shalt  }
0x3f: {  	_ =	shalt  }
0x40: {  	_ =	shalt  }
0x41: {  	_ =	shalt  }
0x42: {  	_ =	shalt  }
0x43: {  	_ =	shalt  }
0x44: {  	_ =	shalt  }
0x45: {  	_ =	shalt  }
0x46: {  	_ =	shalt  }
0x47: {  	_ =	shalt  }
0x48: {  	_ =	shalt  }
0x49: {  	_ =	shalt  }
0x4a: {  	_ =	shalt  }
0x4b: {  	_ =	shalt  }
0x4c: {  	_ =	shalt  }
0x4d: {  	_ =	shalt  }
0x4e: {  	_ =	shalt  }
0x4f: {  	_ =	shalt  }
0x50: {  	_ =	shalt  }
0x51: {  	_ =	shalt  }
0x52: {  	_ =	shalt  }
0x53: {  	_ =	shalt  }
0x54: {  	_ =	shalt  }
0x55: {  	_ =	shalt  }
0x56: {  	_ =	shalt  }
0x57: {  	_ =	shalt  }
0x58: {  	_ =	shalt  }
0x59: {  	_ =	shalt  }
0x5a: {  	_ =	shalt  }
0x5b: {  	_ =	shalt  }
0x5c: {  	_ =	shalt  }
0x5d: {  	_ =	shalt  }
0x5e: {  	_ =	shalt  }
0x5f: {  	_ =	shalt  }
0x60: {  	_ =	shalt  }
0x61: {  	_ =	shalt  }
0x62: {  	_ =	shalt  }
0x63: {  	_ =	shalt  }
0x64: {  	_ =	shalt  }
0x65: {  	_ =	shalt  }
0x66: {  	_ =	shalt  }
0x67: {  	_ =	shalt  }
0x68: {  	_ =	shalt  }
0x69: {  	_ =	shalt  }
0x6a: {  	_ =	shalt  }
0x6b: {  	_ =	shalt  }
0x6c: {  	_ =	shalt  }
0x6d: {  	_ =	shalt  }
0x6e: {  	_ =	shalt  }
0x6f: {  	_ =	shalt  }
0x70: {  	_ =	shalt  }
0x71: {  	_ =	shalt  }
0x72: {  	_ =	shalt  }
0x73: {  	_ =	shalt  }
0x74: {  	_ =	shalt  }
0x75: {  	_ =	shalt  }
0x76: {  	_ =	shalt  }
0x77: {  	_ =	shalt  }
0x78: {  	_ =	shalt  }
0x79: {  	_ =	shalt  }
0x7a: {  	_ =	shalt  }
0x7b: {  	_ =	shalt  }
0x7c: {  	_ =	shalt  }
0x7d: {  	_ =	shalt  }
0x7e: {  	_ =	shalt  }
0x7f: {  	_ =	shalt  }
0x80: {  	_ =	shalt  }
0x81: {  	_ =	shalt  }
0x82: {  	_ =	shalt  }
0x83: {  	_ =	shalt  }
0x84: {  	_ =	shalt  }
0x85: {  	_ =	shalt  }
0x86: {  	_ =	shalt  }
0x87: {  	_ =	shalt  }
.Lfunc_end0:
.L_simem_size_0:
called_computation.1_lowered:
.L_overlay_start_0:
0x88: {  	s2 =	sld [smem:$0x3FD9]  }
0x89: {  	s3 =	sld [smem:$0x3FFE];
	_ =	sdelay $0x1  }
0x8a: {  	s1 =	srdreg.scid  }
0x8b: {  	s0 =	sand.u32 $0x1, s1  }
0x8c: {  	s16 =	sshll.u32 s0, $0xA;
	s2 =	sadd.s32 s3, s2  }
0x8d: {  	s2 =	sadd.s32 s2, s16  }
0x8e: {  	[smem:$0x3FBB] =	sst s2  }
0x8f: {  	_ = 	snop  }
0x90: {  	(tm) =	ssettm $0x1  }
0x91: {  	s17 =	sld [smem:$0x3FFB];
	_ =	sdelay $0x3  }
0x92: {  	_ =	strace s17  }
0x93: {  	s2 =	sld [smem:$0x3FFC];
	_ =	sdelay $0x3  }
0x94: {  	_ =	strace s2  }
0x95: {  	s2 =	sld [smem:$0x3FFD];
	_ =	sdelay $0x3  }
0x96: {  	_ =	strace s2  }
0x97: {  	_ =	strace $0x8FFFFFFF  }
0x98: {  	s18 =	sld [smem:$0x3FDB];
	_ =	sdelay $0x1  }
0x99: {  	s19 =	simm.s32 $_scs_section_size  }
0x9a: {  	s4 =	simm.s32 $_size__tile_overlayer_lowered;
	s5 =	simm.s32 $_tile_overlayer_lowered  }
0x9b: {  	s22 =	simm.s32 $0x1BFF;
	s21 =	sshll.u32 s5, $0x1;
	s2 =	sadd.s32 s19, s18  }
0x9c: {  	s6 =	simm.s32 $0x0;
	s20 =	sshll.u32 s4, $0x1;
	s4 =	sadd.s32 s21, s2  }
0x9d: {  	[timem:s6], [sflag:s22] =	dma.local [hbm:s4], s20  }
0x9e: {  	_ =	swait.ge [sflag:s22], s20  }
0x9f: {  	s3 =	ssub.s32 $0x0, s20;
	[sflag:s22] =	ssyncset.done $0x0  }
0xa0: {  	[sflag:s22] =	ssyncadd.s32 s3;
	_ =	sdelay $0x1  }
0xa1: {  	s23 =	simm.s32 $0x1B8B  }
0xa2: {  	_ =	swait.ge [sflag:s23], $0x1  }
0xa3: {  	[sflag:s23] =	ssyncset.done $0x0  }
0xa4: {  	s25 =	simm.s32 $0x1B8E;
	s24 =	sld [smem:$0x3FFE];
	[sflag:s23] =	ssyncadd.s32 $0xFFFFFFFF  }
0xa5: {  	s26 =	simm.s32 $execute0_lowered;
	[smem:$0x3FD2] =	sst s25  }
0xa6: {  	s4 =	sshll.u32 s26, $0x1;
	_ =	strace $0x80000049;
	[dreg:$0x1] =	wrdreg $0xFFFFFFFF  }
0xa7: {  	s28 =	simm.s32 $_size_execute0_lowered;
	s2 =	sadd.s32 s2, s4;
	[dreg:$0x0] =	wrdreg $0x0  }
0xa8: {  	s4 =	sshll.u32 s28, $0x1;
	[dreg:$0x2] =	wrdreg s2  }
0xa9: {  	[dreg:$0x3] =	wrdreg s4  }
0xaa: {  	[dreg:$0x4] =	wrdreg $0xC0  }
0xab: {  	_ =	task [dreg:s6], $0x5FFFF  }
0xac: {  	[dreg:$0x1] =	wrdreg $0xFFFFFFFF  }
0xad: {  	[dreg:$0x0] =	wrdreg $0x60  }
0xae: {  	[dreg:$0x2] =	wrdreg s24  }
0xaf: {  	[dreg:$0x3] =	wrdreg $0xA8000  }
0xb0: {  	[dreg:$0x4] =	wrdreg $0x9  }
0xb1: {  	_ =	task.clear_ibuf [dreg:s6], $0x5FFFF;
	_ =	strace $0x90000049  }
0xb2: {  	s29 =	simm.s32 $0x9;
	_ =	strace $0x8000004B  }
0xb3: {  	_ =	swait.ge [sflag:s29], $0x1  }
0xb4: {  	[sflag:s29] =	ssyncadd.s32 $0xFFFFFFFF  }
0xb5: {  	_ =	strace $0x9000004B  }
0xb6: {  	_ =	sfence  }
0xb7: {  	s30 =	sld [smem:$0x0];
	_ =	sdelay $0x2  }
0xb8: {  	s31 =	sshll.u32 s1, $0xD;
	s1 =	sshrl.u32 s1, $0x2  }
0xb9: {  	s3 =	sand.u32 $0x4000, s31;
	s1 =	sadd.s32 s1, s30  }
0xba: {  	s0 =	sor.u32 s3, s0;
	s1 =	sshll.u32 s1, $0x11  }
0xbb: {  	s0 =	sor.u32 s1, s0  }
0xbc: {  	s0 =	sadd.s32 $0x8F2B, s0  }
0xbd: {  	[sflag:s0] =	ssyncadd.remote.s32 $0x1  }
0xbe: {  	_ =	sfence.sel $0xFFFF  }
0xbf: {  	[dreg:$0x0] =	wrdreg $0xFFFFFFFF;
	(pc) =	sbr.abs _section_cstart, $3  }
0xc0: {  	[dreg:$0x1] =	wrdreg $0xFFFFFFFF  }
0xc1: {  	_ =	task.clear_ibuf [dreg:s6], $0x2FFFF;
	_ =	strace $0x9FFFFFFF  }
0xc2: {  	(tm) =	ssettm $0x7FFFFFFF  }
0xc3: {  	_ =	shalt  }
tec
execute0_lowered:
.L_overlay_start_1:
0x0: {  	(tag) =	ssettag $0x1  }
0x1: {  	s6 =	rddreg [dreg:$0x0]  }
0x2: {  	s1 =	rddreg [dreg:$0x1]  }
0x3: {  	s0 =	rddreg [dreg:$0x2]  }
0x4: {  	s3 =	simm.s32 $0x0;
	s2 =	srdreg.scid;
	s13 =	simm.s32 $0x4000  }
0x5: {  	s14 =	simm.s32 $0x50;
	s15 =	simm.s32 $0x8000;
	s16 =	simm.s32 $0x1  }
0x6: {  	s17 =	simm.s32 $0x0;
	[smem:$0x7FF] =	sst s3;
	s7 =	sand.u32 $0x1, s2  }
0x7: {  	s2 =	stileid.u32;
	s4 =	sadd.s32 $0x23600, s6;
	s5 =	smul.u32 $0x140000, s7  }
0x8: {  	s8 =	sshll.u32 s2, $0xC;
	s9 =	sshll.u32 s7, $0xB;
	s10 =	smul.u32 $0x14000, s2  }
0x9: {  	_ =	strace $0x8000004A;
	s29 =	smul.u32 $0x50000, s2;
	s7 =	ssub.s32 $0x2, s7  }
0xa: {  	s31 =	sshll.u32 s2, $0x6;
	s8 =	sor.u32 s9, s8;
	s30 =	sshrl.u32 s7, $0x1  }
0xb: {  	s8 =	sadd.s32 s8, s6;
	s28 =	sadd.s32 s10, s5;
	s5 =	sadd.s32 $0x4B600, s6  }
0xc: {  	s10 =	sshrl.u32 s29, $0x2;
	s11 =	ssub.s32 s7, s30;
	s9 =	sshrl.u32 s28, $0x3  }
0xd: {  	s12 =	sadd.s32 s10, s1;
	s7 =	sadd.s32 $0x3600, s8;
	s8 =	sadd.s32 $0x13600, s8  }
0xe: {  	s10 =	smax.u32 s11, $0x1;
	s9 =	sadd.s32 s9, s6;
	s6 =	sor.u32 $0x1C02, s31  }
0xf: {  	s11 =	sshrl.u32 s12, $0x3;
	s12 =	simm.s32 $0x2;
	s9 =	sadd.s32 $0x4DE00, s9  }
.LBB2_1:
0x10: {  	[spmem:s11], [sflag:s6] =	dma.local [hbm:s5], $0x2800  }
0x11: {  	_ =	swait.ge [sflag:s12], $0x2800  }
0x12: {  	[sflag:s12] =	ssyncset.done $0x0  }
0x13: {  	[sflag:s12] =	ssyncadd.s32 $0xFFFFD800  }
0x14: {  	[tilespmem:s3], [sflag:$0x2] =	stream.linear.gather [hbm4b:s7+s3], $0x3E80, $0x38;
	[tilespmem:$0x1E800] =	vst v63  }
0x15: {  	_ =	swait.ge [sflag:s12], $0x3E80  }
0x16: {  	[sflag:s12] =	ssyncset.done $0x0  }
0x17: {  	[sflag:s12] =	ssyncadd.s32 $0xFFFFC180  }
0x18: {  	[tilespmem:s13], [sflag:$0x2] =	stream.linear.gather [hbm4b:s8+s3], $0x3E80, $0x38;
	[tilespmem:$0x1E800] =	vst v63  }
0x19: {  	_ =	swait.ge [sflag:s12], $0x3E80  }
0x1a: {  	[sflag:s12] =	ssyncset.done $0x0  }
0x1b: {  	[sflag:s12] =	ssyncadd.s32 $0xFFFFC180  }
0x1c: {  	s18 =	simm.s32 $0x0;
	[bflag:$0x0] =	sbarrier.arrive $0xFFFF  }
0x1d: {  	[tilespmem:s15], [sflag:$0x1] =	stream.indirect.gather [hbm4b:s4+s14], $0x80, s18, s14, $0xb8;
	[tilespmem:$0x1E800] =	vst v63  }
0x1e: {  	_ =	swait.ge [sflag:s16], $0x2800  }
0x1f: {  	[sflag:s16] =	ssyncset.done $0x0  }
0x20: {  	s31 =	simm.s32 $0x4000;
	[sflag:s16] =	ssyncadd.s32 $0xFFFFD800  }
0x21: {  	[spmem:s1] =	stream.indirect.scatter.add.f32 [tilespmem:s15], [sflag:$0x2], $0x80, s31, s14, $0xb8;
	[tilespmem:$0x1E800] =	vst v63  }
0x22: {  	_ =	swait.ge [sflag:s12], $0x2800  }
0x23: {  	s19 =	simm.s32 $0x400;
	s18 =	simm.s32 $0x200;
	[sflag:s12] =	ssyncset.done $0x0  }
.LBB2_2:
0x24: {  	s20 =	sshra.s32 s18, $0x2  }
0x25: {  	[sflag:s12] =	ssyncadd.s32 $0xFFFFD800;
	s18 =	smov.u32 s19;
	s21 =	sadd.s32 $0x200, s19  }
0x26: {  	[tilespmem:s15], [sflag:$0x1] =	stream.indirect.gather [hbm4b:s4+s14], $0x80, s20, s14, $0xb8;
	[tilespmem:$0x1E800] =	vst v63  }
0x27: {  	p0 =	sne.s32 s19, $0xF800;
	_ =	swait.ge [sflag:s16], $0x2800  }
.Ltmp0:
0x28: {  	[sflag:s16] =	ssyncset.done $0x0;
	(pc) =	sbr.rel @p0 .LBB2_2-.Ltmp0, $4  }
0x29: {  	s19 =	sadd.s32 $0x4000, s20;
	[sflag:s16] =	ssyncadd.s32 $0xFFFFD800  }
0x2a: {  	[spmem:s1] =	stream.indirect.scatter.add.f32 [tilespmem:s15], [sflag:$0x2], $0x80, s19, s14, $0xb8;
	[tilespmem:$0x1E800] =	vst v63  }
0x2b: {  	_ =	swait.ge [sflag:s12], $0x2800  }
0x2c: {  	s19 =	smov.u32 s21;
	[sflag:s12] =	ssyncset.done $0x0  }
0x2d: {  	s18 =	sshra.s32 s18, $0x2;
	[sflag:s12] =	ssyncadd.s32 $0xFFFFD800  }
0x2e: {  	[tilespmem:s15], [sflag:$0x1] =	stream.indirect.gather [hbm4b:s4+s14], $0x80, s18, s14, $0xb8;
	[tilespmem:$0x1E800] =	vst v63  }
0x2f: {  	_ =	swait.ge [sflag:s16], $0x2800  }
0x30: {  	[sflag:s16] =	ssyncset.done $0x0  }
0x31: {  	s18 =	sadd.s32 $0x4000, s18;
	[sflag:s16] =	ssyncadd.s32 $0xFFFFD800  }
0x32: {  	[spmem:s1] =	stream.indirect.scatter.add.f32 [tilespmem:s15], [sflag:$0x2], $0x80, s18, s14, $0xb8;
	[tilespmem:$0x1E800] =	vst v63  }
0x33: {  	_ =	swait.ge [sflag:s12], $0x2800  }
0x34: {  	s17 =	sadd.s32 $0x1, s17;
	[sflag:s12] =	ssyncset.done $0x0  }
0x35: {  	p0 =	sne.s32 s17, s10;
	[sflag:s12] =	ssyncadd.s32 $0xFFFFD800  }
.Ltmp1:
0x36: {  	[bflag:$0x0] =	sbarrier.arrive $0xFFFF;
	(pc) =	sbr.rel @p0 .LBB2_1-.Ltmp1, $4  }
0x37: {  	[hbm:s9], [sflag:s6] =	dma.local [spmem:s11], $0x2800  }
0x38: {  	_ =	swait.ge [sflag:s12], $0x2800  }
0x39: {  	[sflag:s12] =	ssyncset.done $0x0  }
0x3a: {  	[sflag:s12] =	ssyncadd.s32 $0xFFFFD800  }
0x3b: {  	_ =	sfence.sel $0x180000  }
0x3c: {  	[bflag:$0x0] =	sbarrier.arrive $0xFFFF  }
0x3d: {  	p0 =	sne.s32 s2, $0x0;
	_ =	strace $0x9000004A  }
0x3e: {  	s0 =	sadd.s32 @!p0 $0x100000, s0;
	[bflag:$0x2] =	sbarrier.arrive $0xFFFF  }
0x3f: {  	[sflag:s0] =	ssyncadd.tile.s32 @!p0 $0x1;
	_ =	shalt  }
.Lfunc_end2:
_tile_overlayer_lowered:
.L_overlay_start_2:
0x40: {  	(tag) =	ssettag $0x2  }
0x41: {  	s0 =	rddreg [dreg:$0x0];
	s2 =	stileid.u32  }
0x42: {  	s1 =	rddreg [dreg:$0x1];
	p0 =	sne.s32 s2, $0x0  }
0x43: {  	s3 =	rddreg [dreg:$0x2];
	[bflag:$0x3] =	sbarrier.arrive $0xFFFF;
	s2 =	simm.s32 @!p0 $0x1C02  }
0x44: {  	[timem:s3], [sflag:s2] =	dma.local @!p0 [hbm:s0], s1  }
0x45: {  	s0 =	simm.s32 @!p0 $0x2  }
0x46: {  	_ =	swait.ge @!p0 [sflag:s0], s1  }
0x47: {  	s1 =	ssub.s32 @!p0 $0x0, s1;
	[sflag:s0] =	ssyncset.done @!p0 $0x0  }
0x48: {  	[sflag:s0] =	ssyncadd.s32 @!p0 s1  }
0x49: {  	[bflag:$0x3] =	sbarrier.arrive $0xFFFF  }
0x4a: {  	_ =	shalt  }

</sc_bundles>
